<compile_context>
chip_gen: v7x
topology: tpu7x:2x2x1
jax: 0.10.2.dev20260603
libtpu: 0.0.44.dev20260713+nightly
codegen_flags: <defaults>
</compile_context>

<pallas_src>
import functools

import jax
import jax.numpy as jnp
from jax import lax
from jax.experimental import pallas as pl
from jax.experimental.pallas import tpu as pltpu
from jax.experimental.pallas import tpu_sc as plsc

_TN = 512


def _knn_body(x1_ref, x2_ref, i0_ref, i1_ref, i2_ref, w0_ref, w1_ref, w2_ref):
    b = pl.program_id(0)
    x1 = x1_ref[0]
    x2 = x2_ref[0]
    s = x2.shape[1]
    d = lax.dot_general(x1, x2, (((0,), (0,)), ((), ())),
                        preferred_element_type=jnp.float32)
    d = (-2.0) * d
    d = d + jnp.sum(x1 * x1, axis=0)[:, None]
    d = d + jnp.sum(x2 * x2, axis=0)[None, :]
    iota = lax.broadcasted_iota(jnp.int32, d.shape, 1)
    idxs = []
    vals = []
    for k in range(3):
        m = jnp.min(d, axis=1)
        cand = jnp.where(d == m[:, None], iota, s)
        ik = jnp.min(cand, axis=1)
        idxs.append(ik)
        vals.append(m)
        if k < 2:
            d = jnp.where(iota == ik[:, None], jnp.float32(jnp.inf), d)
    r = [1.0 / (v + 1e-8) for v in vals]
    norm = r[0] + r[1] + r[2]
    off = b * s
    for k, (iref, wref) in enumerate(
            zip((i0_ref, i1_ref, i2_ref), (w0_ref, w1_ref, w2_ref))):
        iref[0, 0, :] = idxs[k] + off
        wref[0, 0, :] = r[k] / norm


def _knn(xyz1, xyz2):
    B, _, N = xyz1.shape
    S = xyz2.shape[2]
    grid = (B, N // _TN)
    ispec = jax.ShapeDtypeStruct((B, 1, N), jnp.int32)
    wspec = jax.ShapeDtypeStruct((B, 1, N), jnp.float32)
    out_specs = [pl.BlockSpec((1, 1, _TN), lambda b, n: (b, 0, n))] * 6
    return pl.pallas_call(
        _knn_body,
        grid=grid,
        in_specs=[
            pl.BlockSpec((1, 3, _TN), lambda b, n: (b, 0, n)),
            pl.BlockSpec((1, 3, S), lambda b, n: (b, 0, 0)),
        ],
        out_specs=out_specs,
        out_shape=[ispec, ispec, ispec, wspec, wspec, wspec],
    )(xyz1, xyz2)


_QC = 128


def _interp(table, idx0, idx1, idx2, wgt0, wgt1, wgt2):
    BN = idx0.shape[0]
    D = table.shape[1]
    L = 16
    NC, NS = 2, 16
    NW = NC * NS
    QT = BN // NW
    mesh = plsc.VectorSubcoreMesh(core_axis_name="c", subcore_axis_name="s")

    @functools.partial(
        pl.kernel,
        mesh=mesh,
        out_type=jax.ShapeDtypeStruct((BN, D), jnp.float32),
        scratch_types=[
            pltpu.VMEM((_QC,), jnp.int32),
            pltpu.VMEM((_QC,), jnp.int32),
            pltpu.VMEM((_QC,), jnp.int32),
            pltpu.VMEM((_QC, D), jnp.float32),
            pltpu.VMEM((_QC, D), jnp.float32),
            pltpu.VMEM((_QC, D), jnp.float32),
            pltpu.VMEM((_QC, L), jnp.float32),
            pltpu.VMEM((_QC, L), jnp.float32),
            pltpu.VMEM((_QC, L), jnp.float32),
            pltpu.VMEM((_QC, D), jnp.float32),
            pltpu.SemaphoreType.DMA,
        ],
    )
    def body(table_hbm, i0_hbm, i1_hbm, i2_hbm, w0_hbm, w1_hbm, w2_hbm,
             out_hbm, i0_v, i1_v, i2_v, r0_v, r1_v, r2_v, w0_v, w1_v, w2_v,
             out_v, sem):
        wid = lax.axis_index("s") * NC + lax.axis_index("c")
        base = wid * QT
        idx_refs = (i0_v, i1_v, i2_v)
        row_refs = (r0_v, r1_v, r2_v)
        wgt_refs = (w0_v, w1_v, w2_v)

        def chunk(j, carry):
            qb = base + j * _QC
            for k, (ih, wh) in enumerate(
                    zip((i0_hbm, i1_hbm, i2_hbm), (w0_hbm, w1_hbm, w2_hbm))):
                pltpu.sync_copy(ih.at[pl.ds(qb, _QC)], idx_refs[k])
                pltpu.sync_copy(wh.at[pl.ds(qb, _QC), :], wgt_refs[k])
            copies = [
                pltpu.async_copy(table_hbm.at[idx_refs[k]], row_refs[k], sem)
                for k in range(3)
            ]
            for c in copies:
                c.wait()

            def one_q(q, c2):
                for c in range(D // L):
                    sl = pl.ds(c * L, L)
                    acc = w0_v[q, :] * r0_v[q, sl]
                    acc = acc + w1_v[q, :] * r1_v[q, sl]
                    acc = acc + w2_v[q, :] * r2_v[q, sl]
                    out_v[q, sl] = acc
                return c2

            lax.fori_loop(0, _QC, one_q, 0)
            pltpu.sync_copy(out_v, out_hbm.at[pl.ds(qb, _QC), :])
            return carry

        lax.fori_loop(0, QT // _QC, chunk, 0)

    return body(table, idx0, idx1, idx2, wgt0, wgt1, wgt2)


_RB = 128


def _mlp1_body(x_ref, w_ref, b_ref, g_ref, be_ref, o_ref):
    y = lax.dot_general(w_ref[...], x_ref[...], (((1,), (0,)), ((), ())),
                        preferred_element_type=jnp.float32)
    y = y + b_ref[...]
    m = jnp.mean(y, axis=1, keepdims=True)
    yc = y - m
    v = jnp.mean(yc * yc, axis=1, keepdims=True)
    yh = yc * lax.rsqrt(v + 1e-5)
    o_ref[...] = jnp.maximum(g_ref[...] * yh + be_ref[...], 0.0)


def _mlp1(X, W1, b1, g1, be1):
    O, C = W1.shape
    Ncol = X.shape[1]
    return pl.pallas_call(
        _mlp1_body,
        grid=(O // _RB,),
        in_specs=[
            pl.BlockSpec((C, Ncol), lambda i: (0, 0)),
            pl.BlockSpec((_RB, C), lambda i: (i, 0)),
            pl.BlockSpec((_RB, 1), lambda i: (i, 0)),
            pl.BlockSpec((_RB, 1), lambda i: (i, 0)),
            pl.BlockSpec((_RB, 1), lambda i: (i, 0)),
        ],
        out_specs=pl.BlockSpec((_RB, Ncol), lambda i: (i, 0)),
        out_shape=jax.ShapeDtypeStruct((O, Ncol), jnp.float32),
    )(X, W1, b1[:, None], g1[:, None], be1[:, None])


def _mlp2_body(x_ref, w_ref, b_ref, g_ref, be_ref, o_ref):
    y = lax.dot_general(w_ref[...], x_ref[...], (((1,), (0,)), ((), ())),
                        preferred_element_type=jnp.float32)
    y = y + b_ref[...]
    m = jnp.mean(y, axis=1, keepdims=True)
    yc = y - m
    v = jnp.mean(yc * yc, axis=1, keepdims=True)
    yh = yc * lax.rsqrt(v + 1e-5)
    o_ref[...] = jnp.maximum(g_ref[...] * yh + be_ref[...], 0.0)


def _mlp2(Y1, W2, b2, g2, be2):
    O, C = W2.shape
    Ncol = Y1.shape[1]
    return pl.pallas_call(
        _mlp2_body,
        out_shape=jax.ShapeDtypeStruct((O, Ncol), jnp.float32),
    )(Y1, W2, b2[:, None], g2[:, None], be2[:, None])


def kernel(xyz1, xyz2, points1, points2, W1, b1, g1, be1, W2, b2, g2, be2):
    B, _, N = xyz1.shape
    S = xyz2.shape[2]
    D = points2.shape[1]
    BN = B * N

    i0, i1, i2, w0, w1, w2 = _knn(xyz1, xyz2)
    idxs = [i.reshape(BN) for i in (i0, i1, i2)]
    wgts = [jnp.broadcast_to(w.reshape(BN)[:, None], (BN, 16))
            for w in (w0, w1, w2)]

    table = points2.transpose(0, 2, 1).reshape(B * S, D)
    interp = _interp(table, *idxs, *wgts)

    X1 = points1.transpose(2, 0, 1).reshape(N, B * D)
    X2 = interp.reshape(B, N, D).transpose(1, 0, 2).reshape(N, B * D)
    X = jnp.concatenate([X1, X2], axis=0)

    Y1 = _mlp1(X, W1, b1, g1, be1)
    Y2 = _mlp2(Y1, W2, b2, g2, be2)
    return Y2.reshape(W2.shape[0], B, D).transpose(1, 0, 2)

# --- scband reference (transcript-rebuilt; emitter-appended) ---
"""Pipeline reference for scband-point-net-feature-propagation-2508260901535 (READ-ONLY COPY).

The authoritative reference and input builder live on the scoring server;
editing this copy changes nothing except your own understanding.
"""

import jax, jax.numpy as jnp
import numpy as np


def square_distance(src, dst):
    # src [B,N,C], dst [B,M,C] -> [B,N,M]
    d = -2.0 * jnp.matmul(src, jnp.transpose(dst, (0, 2, 1)))
    d = d + jnp.sum(src ** 2, axis=-1)[:, :, None]
    d = d + jnp.sum(dst ** 2, axis=-1)[:, None, :]
    return d


def index_points(points, idx):
    # points [B,S,D], idx [B,N,K] -> [B,N,K,D]
    return jax.vmap(lambda p, i: p[i])(points, idx)


def batchnorm1d(x, gamma, beta, eps=1e-5):
    # x [B,C,L]; training-mode batch stats over (B, L)
    m = jnp.mean(x, axis=(0, 2), keepdims=True)
    v = jnp.var(x, axis=(0, 2), keepdims=True)
    xh = (x - m) / jnp.sqrt(v + eps)
    return gamma[None, :, None] * xh + beta[None, :, None]


def setup_inputs(seed: int = 0) -> dict:
    key = jax.random.key(seed)
    ks = jax.random.split(key, 8)
    B, N, S, D = 8, 2048, 512, 128
    in_channel = 2 * N  # 4096, per buggy cat along dim=1
    c1, c2 = 1024, 512
    inp = {}
    inp['xyz1'] = jax.random.normal(ks[0], (B, 3, N), dtype=jnp.float32)
    inp['xyz2'] = jax.random.normal(ks[1], (B, 3, S), dtype=jnp.float32)
    inp['points1'] = jax.random.normal(ks[2], (B, D, N), dtype=jnp.float32)
    inp['points2'] = jax.random.normal(ks[3], (B, D, S), dtype=jnp.float32)
    inp['W1'] = jax.random.normal(ks[4], (c1, in_channel), dtype=jnp.float32) * 0.02
    inp['b1'] = jnp.zeros((c1,), dtype=jnp.float32)
    inp['g1'] = jnp.ones((c1,), dtype=jnp.float32)
    inp['be1'] = jnp.zeros((c1,), dtype=jnp.float32)
    inp['W2'] = jax.random.normal(ks[5], (c2, c1), dtype=jnp.float32) * 0.02
    inp['b2'] = jnp.zeros((c2,), dtype=jnp.float32)
    inp['g2'] = jnp.ones((c2,), dtype=jnp.float32)
    inp['be2'] = jnp.zeros((c2,), dtype=jnp.float32)
    return inp


def reference(xyz1, xyz2, points1, points2, W1, b1, g1, be1, W2, b2, g2, be2):
    xyz1p = jnp.transpose(xyz1, (0, 2, 1))   # [B,N,3]
    xyz2p = jnp.transpose(xyz2, (0, 2, 1))   # [B,S,3]
    pts2 = jnp.transpose(points2, (0, 2, 1)) # [B,S,D]
    B, N, C = xyz1p.shape
    S = xyz2p.shape[1]
    dists = square_distance(xyz1p, xyz2p)    # [B,N,S]
    idx = jnp.argsort(dists, axis=-1)[:, :, :3]
    d3 = jnp.sort(dists, axis=-1)[:, :, :3]
    dist_recip = 1.0 / (d3 + 1e-08)
    norm = jnp.sum(dist_recip, axis=2, keepdims=True)
    weight = dist_recip / norm               # [B,N,3]
    interpolated = jnp.sum(index_points(pts2, idx) * weight[:, :, :, None], axis=2)  # [B,N,D]
    pts1 = jnp.transpose(points1, (0, 2, 1)) # [B,N,D]
    new_points = jnp.concatenate([pts1, interpolated], axis=1)  # [B,2N,D]
    # Conv1d(k=1) -> einsum over channel dim
    x = jnp.einsum('bcl,oc->bol', new_points, W1) + b1[None, :, None]
    x = jax.nn.relu(batchnorm1d(x, g1, be1))
    x = jnp.einsum('bcl,oc->bol', x, W2) + b2[None, :, None]
    x = jax.nn.relu(batchnorm1d(x, g2, be2))
    return x

if __name__ == "__main__":
    import jax
    _d = setup_inputs()
    print(jax.jit(kernel)(*tuple(_d.values())))

</pallas_src>

<mosaic_0001>
#map = affine_map<(d0, d1) -> (0, 0)>
#map1 = affine_map<(d0, d1) -> (0)>
module attributes {stable_mosaic.version = 14 : i64} {
  func.func @body(%arg0: i32, %arg1: i32, %arg2: memref<4096x128xf32, #tpu.memory_space<hbm>>, %arg3: memref<16384xi32, #tpu.memory_space<hbm>>, %arg4: memref<16384xi32, #tpu.memory_space<hbm>>, %arg5: memref<16384xi32, #tpu.memory_space<hbm>>, %arg6: memref<16384x16xf32, #tpu.memory_space<hbm>>, %arg7: memref<16384x16xf32, #tpu.memory_space<hbm>>, %arg8: memref<16384x16xf32, #tpu.memory_space<hbm>>, %arg9: memref<16384x128xf32, #tpu.memory_space<hbm>>, %arg10: memref<128xi32, #tpu.memory_space<vmem>>, %arg11: memref<128xi32, #tpu.memory_space<vmem>>, %arg12: memref<128xi32, #tpu.memory_space<vmem>>, %arg13: memref<128x128xf32, #tpu.memory_space<vmem>>, %arg14: memref<128x128xf32, #tpu.memory_space<vmem>>, %arg15: memref<128x128xf32, #tpu.memory_space<vmem>>, %arg16: memref<128x16xf32, #tpu.memory_space<vmem>>, %arg17: memref<128x16xf32, #tpu.memory_space<vmem>>, %arg18: memref<128x16xf32, #tpu.memory_space<vmem>>, %arg19: memref<128x128xf32, #tpu.memory_space<vmem>>, %arg20: memref<!tpu.dma_semaphore, #tpu.memory_space<semaphore_mem>>) attributes {dimension_semantics = [#tpu.dimension_semantics<core_parallel>, #tpu.dimension_semantics<subcore_parallel>], iteration_bounds = array<i64: 2, 16>, scalar_prefetch = 0 : i64, scratch_operands = 11 : i64, tpu.core_type = #tpu.core_type<sc_vector_subcore>, window_params = [{transform_indices = #map}, {transform_indices = #map1}, {transform_indices = #map1}, {transform_indices = #map1}, {transform_indices = #map}, {transform_indices = #map}, {transform_indices = #map}, {transform_indices = #map}]} {
    %mul3A = arith.constant 2 : i32
    %mul3A_0 = arith.muli %arg1, %mul3A : i32
    %add3A = arith.addi %mul3A_0, %arg0 : i32
    %mul3A_1 = arith.constant 512 : i32
    %mul3A_2 = arith.muli %add3A, %mul3A_1 : i32
    %scan3A = arith.constant 0 : i32
    %scan3A_3 = arith.constant 0 : i32
    %scan3A_4 = arith.constant 4 : i32
    %scan3A_5 = arith.addi %scan3A_3, %scan3A_4 : i32
    %scan3A_6 = arith.constant 1 : i32
    scf.for %scan3A_8 = %scan3A_3 to %scan3A_5 step %scan3A_6  : i32 {
      %mul3A_9 = arith.constant 128 : i32
      %mul3A_10 = arith.muli %scan3A_8, %mul3A_9 : i32
      %add3A_11 = arith.addi %mul3A_2, %mul3A_10 : i32
      "tpu.region"() ({
        %run_scoped3A = tpu.sem_alloc : memref<!tpu.dma_semaphore, #tpu.memory_space<semaphore_mem>>
        %dma_start3A_34 = tpu.memref_slice %arg3[%add3A_11] : memref<16384xi32, #tpu.memory_space<hbm>> -> memref<128xi32, #tpu.memory_space<hbm>>
        %dma_start3A_35 = tpu.memref_slice %arg3[%add3A_11] : memref<16384xi32, #tpu.memory_space<hbm>> -> memref<128xi32, #tpu.memory_space<hbm>>
        tpu.enqueue_dma source(%dma_start3A_35 : memref<128xi32, #tpu.memory_space<hbm>>) target(%arg10 : memref<128xi32, #tpu.memory_space<vmem>>) target_semaphore(%run_scoped3A : memref<!tpu.dma_semaphore, #tpu.memory_space<semaphore_mem>>)
        %dma_wait3A_36 = tpu.memref_slice %arg3[%add3A_11] : memref<16384xi32, #tpu.memory_space<hbm>> -> memref<128xi32, #tpu.memory_space<hbm>>
        %dma_wait3A_37 = tpu.memref_slice %arg3[%add3A_11] : memref<16384xi32, #tpu.memory_space<hbm>> -> memref<128xi32, #tpu.memory_space<hbm>>
        tpu.wait_dma2 semaphore(%run_scoped3A : memref<!tpu.dma_semaphore, #tpu.memory_space<semaphore_mem>>) src(%dma_wait3A_37 : memref<128xi32, #tpu.memory_space<hbm>>) dst(%arg10 : memref<128xi32, #tpu.memory_space<vmem>>)
        tpu.yield
      }) : () -> ()
      "tpu.region"() ({
        %run_scoped3A = tpu.sem_alloc : memref<!tpu.dma_semaphore, #tpu.memory_space<semaphore_mem>>
        %dma_start3A_34 = arith.constant 0 : i32
        %dma_start3A_35 = tpu.memref_slice %arg6[%add3A_11, %dma_start3A_34] : memref<16384x16xf32, #tpu.memory_space<hbm>> -> memref<128x16xf32, #tpu.memory_space<hbm>>
        %dma_start3A_36 = arith.constant 0 : i32
        %dma_start3A_37 = tpu.memref_slice %arg6[%add3A_11, %dma_start3A_36] : memref<16384x16xf32, #tpu.memory_space<hbm>> -> memref<128x16xf32, #tpu.memory_space<hbm>>
        tpu.enqueue_dma source(%dma_start3A_37 : memref<128x16xf32, #tpu.memory_space<hbm>>) target(%arg16 : memref<128x16xf32, #tpu.memory_space<vmem>>) target_semaphore(%run_scoped3A : memref<!tpu.dma_semaphore, #tpu.memory_space<semaphore_mem>>)
        %dma_wait3A_38 = arith.constant 0 : i32
        %dma_wait3A_39 = tpu.memref_slice %arg6[%add3A_11, %dma_wait3A_38] : memref<16384x16xf32, #tpu.memory_space<hbm>> -> memref<128x16xf32, #tpu.memory_space<hbm>>
        %dma_wait3A_40 = arith.constant 0 : i32
        %dma_wait3A_41 = tpu.memref_slice %arg6[%add3A_11, %dma_wait3A_40] : memref<16384x16xf32, #tpu.memory_space<hbm>> -> memref<128x16xf32, #tpu.memory_space<hbm>>
        tpu.wait_dma2 semaphore(%run_scoped3A : memref<!tpu.dma_semaphore, #tpu.memory_space<semaphore_mem>>) src(%dma_wait3A_41 : memref<128x16xf32, #tpu.memory_space<hbm>>) dst(%arg16 : memref<128x16xf32, #tpu.memory_space<vmem>>)
        tpu.yield
      }) : () -> ()
      "tpu.region"() ({
        %run_scoped3A = tpu.sem_alloc : memref<!tpu.dma_semaphore, #tpu.memory_space<semaphore_mem>>
        %dma_start3A_34 = tpu.memref_slice %arg4[%add3A_11] : memref<16384xi32, #tpu.memory_space<hbm>> -> memref<128xi32, #tpu.memory_space<hbm>>
        %dma_start3A_35 = tpu.memref_slice %arg4[%add3A_11] : memref<16384xi32, #tpu.memory_space<hbm>> -> memref<128xi32, #tpu.memory_space<hbm>>
        tpu.enqueue_dma source(%dma_start3A_35 : memref<128xi32, #tpu.memory_space<hbm>>) target(%arg11 : memref<128xi32, #tpu.memory_space<vmem>>) target_semaphore(%run_scoped3A : memref<!tpu.dma_semaphore, #tpu.memory_space<semaphore_mem>>)
        %dma_wait3A_36 = tpu.memref_slice %arg4[%add3A_11] : memref<16384xi32, #tpu.memory_space<hbm>> -> memref<128xi32, #tpu.memory_space<hbm>>
        %dma_wait3A_37 = tpu.memref_slice %arg4[%add3A_11] : memref<16384xi32, #tpu.memory_space<hbm>> -> memref<128xi32, #tpu.memory_space<hbm>>
        tpu.wait_dma2 semaphore(%run_scoped3A : memref<!tpu.dma_semaphore, #tpu.memory_space<semaphore_mem>>) src(%dma_wait3A_37 : memref<128xi32, #tpu.memory_space<hbm>>) dst(%arg11 : memref<128xi32, #tpu.memory_space<vmem>>)
        tpu.yield
      }) : () -> ()
      "tpu.region"() ({
        %run_scoped3A = tpu.sem_alloc : memref<!tpu.dma_semaphore, #tpu.memory_space<semaphore_mem>>
        %dma_start3A_34 = arith.constant 0 : i32
        %dma_start3A_35 = tpu.memref_slice %arg7[%add3A_11, %dma_start3A_34] : memref<16384x16xf32, #tpu.memory_space<hbm>> -> memref<128x16xf32, #tpu.memory_space<hbm>>
        %dma_start3A_36 = arith.constant 0 : i32
        %dma_start3A_37 = tpu.memref_slice %arg7[%add3A_11, %dma_start3A_36] : memref<16384x16xf32, #tpu.memory_space<hbm>> -> memref<128x16xf32, #tpu.memory_space<hbm>>
        tpu.enqueue_dma source(%dma_start3A_37 : memref<128x16xf32, #tpu.memory_space<hbm>>) target(%arg17 : memref<128x16xf32, #tpu.memory_space<vmem>>) target_semaphore(%run_scoped3A : memref<!tpu.dma_semaphore, #tpu.memory_space<semaphore_mem>>)
        %dma_wait3A_38 = arith.constant 0 : i32
        %dma_wait3A_39 = tpu.memref_slice %arg7[%add3A_11, %dma_wait3A_38] : memref<16384x16xf32, #tpu.memory_space<hbm>> -> memref<128x16xf32, #tpu.memory_space<hbm>>
        %dma_wait3A_40 = arith.constant 0 : i32
        %dma_wait3A_41 = tpu.memref_slice %arg7[%add3A_11, %dma_wait3A_40] : memref<16384x16xf32, #tpu.memory_space<hbm>> -> memref<128x16xf32, #tpu.memory_space<hbm>>
        tpu.wait_dma2 semaphore(%run_scoped3A : memref<!tpu.dma_semaphore, #tpu.memory_space<semaphore_mem>>) src(%dma_wait3A_41 : memref<128x16xf32, #tpu.memory_space<hbm>>) dst(%arg17 : memref<128x16xf32, #tpu.memory_space<vmem>>)
        tpu.yield
      }) : () -> ()
      "tpu.region"() ({
        %run_scoped3A = tpu.sem_alloc : memref<!tpu.dma_semaphore, #tpu.memory_space<semaphore_mem>>
        %dma_start3A_34 = tpu.memref_slice %arg5[%add3A_11] : memref<16384xi32, #tpu.memory_space<hbm>> -> memref<128xi32, #tpu.memory_space<hbm>>
        %dma_start3A_35 = tpu.memref_slice %arg5[%add3A_11] : memref<16384xi32, #tpu.memory_space<hbm>> -> memref<128xi32, #tpu.memory_space<hbm>>
        tpu.enqueue_dma source(%dma_start3A_35 : memref<128xi32, #tpu.memory_space<hbm>>) target(%arg12 : memref<128xi32, #tpu.memory_space<vmem>>) target_semaphore(%run_scoped3A : memref<!tpu.dma_semaphore, #tpu.memory_space<semaphore_mem>>)
        %dma_wait3A_36 = tpu.memref_slice %arg5[%add3A_11] : memref<16384xi32, #tpu.memory_space<hbm>> -> memref<128xi32, #tpu.memory_space<hbm>>
        %dma_wait3A_37 = tpu.memref_slice %arg5[%add3A_11] : memref<16384xi32, #tpu.memory_space<hbm>> -> memref<128xi32, #tpu.memory_space<hbm>>
        tpu.wait_dma2 semaphore(%run_scoped3A : memref<!tpu.dma_semaphore, #tpu.memory_space<semaphore_mem>>) src(%dma_wait3A_37 : memref<128xi32, #tpu.memory_space<hbm>>) dst(%arg12 : memref<128xi32, #tpu.memory_space<vmem>>)
        tpu.yield
      }) : () -> ()
      "tpu.region"() ({
        %run_scoped3A = tpu.sem_alloc : memref<!tpu.dma_semaphore, #tpu.memory_space<semaphore_mem>>
        %dma_start3A_34 = arith.constant 0 : i32
        %dma_start3A_35 = tpu.memref_slice %arg8[%add3A_11, %dma_start3A_34] : memref<16384x16xf32, #tpu.memory_space<hbm>> -> memref<128x16xf32, #tpu.memory_space<hbm>>
        %dma_start3A_36 = arith.constant 0 : i32
        %dma_start3A_37 = tpu.memref_slice %arg8[%add3A_11, %dma_start3A_36] : memref<16384x16xf32, #tpu.memory_space<hbm>> -> memref<128x16xf32, #tpu.memory_space<hbm>>
        tpu.enqueue_dma source(%dma_start3A_37 : memref<128x16xf32, #tpu.memory_space<hbm>>) target(%arg18 : memref<128x16xf32, #tpu.memory_space<vmem>>) target_semaphore(%run_scoped3A : memref<!tpu.dma_semaphore, #tpu.memory_space<semaphore_mem>>)
        %dma_wait3A_38 = arith.constant 0 : i32
        %dma_wait3A_39 = tpu.memref_slice %arg8[%add3A_11, %dma_wait3A_38] : memref<16384x16xf32, #tpu.memory_space<hbm>> -> memref<128x16xf32, #tpu.memory_space<hbm>>
        %dma_wait3A_40 = arith.constant 0 : i32
        %dma_wait3A_41 = tpu.memref_slice %arg8[%add3A_11, %dma_wait3A_40] : memref<16384x16xf32, #tpu.memory_space<hbm>> -> memref<128x16xf32, #tpu.memory_space<hbm>>
        tpu.wait_dma2 semaphore(%run_scoped3A : memref<!tpu.dma_semaphore, #tpu.memory_space<semaphore_mem>>) src(%dma_wait3A_41 : memref<128x16xf32, #tpu.memory_space<hbm>>) dst(%arg18 : memref<128x16xf32, #tpu.memory_space<vmem>>)
        tpu.yield
      }) : () -> ()
      %dma_start3A = arith.constant 0 : i32
      %dma_start3A_12 = arith.constant 0 : i32
      %dma_start3A_13 = tpu.memref_slice %arg2[%dma_start3A, %dma_start3A_12] : memref<4096x128xf32, #tpu.memory_space<hbm>> -> memref<4096x128xf32, #tpu.memory_space<hbm>>
      tpu.enqueue_indirect_dma source(%dma_start3A_13 : memref<4096x128xf32, #tpu.memory_space<hbm>>) target(%arg13 : memref<128x128xf32, #tpu.memory_space<vmem>>) offsets(%arg10 : memref<128xi32, #tpu.memory_space<vmem>>) semaphore(%arg20 : memref<!tpu.dma_semaphore, #tpu.memory_space<semaphore_mem>>)
      %dma_start3A_14 = arith.constant 0 : i32
      %dma_start3A_15 = arith.constant 0 : i32
      %dma_start3A_16 = tpu.memref_slice %arg2[%dma_start3A_14, %dma_start3A_15] : memref<4096x128xf32, #tpu.memory_space<hbm>> -> memref<4096x128xf32, #tpu.memory_space<hbm>>
      tpu.enqueue_indirect_dma source(%dma_start3A_16 : memref<4096x128xf32, #tpu.memory_space<hbm>>) target(%arg14 : memref<128x128xf32, #tpu.memory_space<vmem>>) offsets(%arg11 : memref<128xi32, #tpu.memory_space<vmem>>) semaphore(%arg20 : memref<!tpu.dma_semaphore, #tpu.memory_space<semaphore_mem>>)
      %dma_start3A_17 = arith.constant 0 : i32
      %dma_start3A_18 = arith.constant 0 : i32
      %dma_start3A_19 = tpu.memref_slice %arg2[%dma_start3A_17, %dma_start3A_18] : memref<4096x128xf32, #tpu.memory_space<hbm>> -> memref<4096x128xf32, #tpu.memory_space<hbm>>
      tpu.enqueue_indirect_dma source(%dma_start3A_19 : memref<4096x128xf32, #tpu.memory_space<hbm>>) target(%arg15 : memref<128x128xf32, #tpu.memory_space<vmem>>) offsets(%arg12 : memref<128xi32, #tpu.memory_space<vmem>>) semaphore(%arg20 : memref<!tpu.dma_semaphore, #tpu.memory_space<semaphore_mem>>)
      %dma_wait3A = arith.constant 0 : i32
      %dma_wait3A_20 = arith.constant 0 : i32
      %dma_wait3A_21 = tpu.memref_slice %arg2[%dma_wait3A, %dma_wait3A_20] : memref<4096x128xf32, #tpu.memory_space<hbm>> -> memref<4096x128xf32, #tpu.memory_space<hbm>>
      tpu.wait_indirect_dma semaphore(%arg20 : memref<!tpu.dma_semaphore, #tpu.memory_space<semaphore_mem>>) src(%dma_wait3A_21 : memref<4096x128xf32, #tpu.memory_space<hbm>>) dst(%arg13 : memref<128x128xf32, #tpu.memory_space<vmem>>)
      %dma_wait3A_22 = arith.constant 0 : i32
      %dma_wait3A_23 = arith.constant 0 : i32
      %dma_wait3A_24 = tpu.memref_slice %arg2[%dma_wait3A_22, %dma_wait3A_23] : memref<4096x128xf32, #tpu.memory_space<hbm>> -> memref<4096x128xf32, #tpu.memory_space<hbm>>
      tpu.wait_indirect_dma semaphore(%arg20 : memref<!tpu.dma_semaphore, #tpu.memory_space<semaphore_mem>>) src(%dma_wait3A_24 : memref<4096x128xf32, #tpu.memory_space<hbm>>) dst(%arg14 : memref<128x128xf32, #tpu.memory_space<vmem>>)
      %dma_wait3A_25 = arith.constant 0 : i32
      %dma_wait3A_26 = arith.constant 0 : i32
      %dma_wait3A_27 = tpu.memref_slice %arg2[%dma_wait3A_25, %dma_wait3A_26] : memref<4096x128xf32, #tpu.memory_space<hbm>> -> memref<4096x128xf32, #tpu.memory_space<hbm>>
      tpu.wait_indirect_dma semaphore(%arg20 : memref<!tpu.dma_semaphore, #tpu.memory_space<semaphore_mem>>) src(%dma_wait3A_27 : memref<4096x128xf32, #tpu.memory_space<hbm>>) dst(%arg15 : memref<128x128xf32, #tpu.memory_space<vmem>>)
      %scan3A_28 = arith.constant 0 : i32
      %scan3A_29 = arith.constant 0 : i32
      %scan3A_30 = arith.constant 128 : i32
      %scan3A_31 = arith.addi %scan3A_29, %scan3A_30 : i32
      %scan3A_32 = arith.constant 1 : i32
      scf.for %scan3A_34 = %scan3A_29 to %scan3A_31 step %scan3A_32  : i32 {
        %get3A = arith.index_cast %scan3A_34 : i32 to index
        %get3A_35 = arith.constant 0 : index
        %get3A_36 = tpu.vector_load %arg16[%get3A, %get3A_35] {strides = array<i32>} : memref<128x16xf32, #tpu.memory_space<vmem>>, vector<1x16xf32>,
        %get3A_37 = vector.shape_cast %get3A_36 : vector<1x16xf32> to vector<16xf32>
        %get3A_38 = arith.index_cast %scan3A_34 : i32 to index
        %get3A_39 = arith.constant 0 : index
        %get3A_40 = tpu.vector_load %arg13[%get3A_38, %get3A_39] {strides = array<i32>} : memref<128x128xf32, #tpu.memory_space<vmem>>, vector<1x16xf32>,
        %get3A_41 = vector.shape_cast %get3A_40 : vector<1x16xf32> to vector<16xf32>
        %mul3A_42 = arith.mulf %get3A_37, %get3A_41 : vector<16xf32>
        %get3A_43 = arith.index_cast %scan3A_34 : i32 to index
        %get3A_44 = arith.constant 0 : index
        %get3A_45 = tpu.vector_load %arg17[%get3A_43, %get3A_44] {strides = array<i32>} : memref<128x16xf32, #tpu.memory_space<vmem>>, vector<1x16xf32>,
        %get3A_46 = vector.shape_cast %get3A_45 : vector<1x16xf32> to vector<16xf32>
        %get3A_47 = arith.index_cast %scan3A_34 : i32 to index
        %get3A_48 = arith.constant 0 : index
        %get3A_49 = tpu.vector_load %arg14[%get3A_47, %get3A_48] {strides = array<i32>} : memref<128x128xf32, #tpu.memory_space<vmem>>, vector<1x16xf32>,
        %get3A_50 = vector.shape_cast %get3A_49 : vector<1x16xf32> to vector<16xf32>
        %mul3A_51 = arith.mulf %get3A_46, %get3A_50 : vector<16xf32>
        %add3A_52 = arith.addf %mul3A_42, %mul3A_51 : vector<16xf32>
        %get3A_53 = arith.index_cast %scan3A_34 : i32 to index
        %get3A_54 = arith.constant 0 : index
        %get3A_55 = tpu.vector_load %arg18[%get3A_53, %get3A_54] {strides = array<i32>} : memref<128x16xf32, #tpu.memory_space<vmem>>, vector<1x16xf32>,
        %get3A_56 = vector.shape_cast %get3A_55 : vector<1x16xf32> to vector<16xf32>
        %get3A_57 = arith.index_cast %scan3A_34 : i32 to index
        %get3A_58 = arith.constant 0 : index
        %get3A_59 = tpu.vector_load %arg15[%get3A_57, %get3A_58] {strides = array<i32>} : memref<128x128xf32, #tpu.memory_space<vmem>>, vector<1x16xf32>,
        %get3A_60 = vector.shape_cast %get3A_59 : vector<1x16xf32> to vector<16xf32>
        %mul3A_61 = arith.mulf %get3A_56, %get3A_60 : vector<16xf32>
        %add3A_62 = arith.addf %add3A_52, %mul3A_61 : vector<16xf32>
        %swap3A = arith.index_cast %scan3A_34 : i32 to index
        %swap3A_63 = arith.constant 0 : index
        %swap3A_64 = tpu.vector_load %arg19[%swap3A, %swap3A_63] {strides = array<i32>} : memref<128x128xf32, #tpu.memory_space<vmem>>, vector<1x16xf32>,
        %swap3A_65 = vector.shape_cast %swap3A_64 : vector<1x16xf32> to vector<16xf32>
        %swap3A_66 = vector.shape_cast %add3A_62 : vector<16xf32> to vector<1x16xf32>
        tpu.vector_store %arg19[%swap3A, %swap3A_63], %swap3A_66 {strides = array<i32>} : memref<128x128xf32, #tpu.memory_space<vmem>>, vector<1x16xf32>,
        %get3A_67 = arith.index_cast %scan3A_34 : i32 to index
        %get3A_68 = arith.constant 0 : index
        %get3A_69 = tpu.vector_load %arg16[%get3A_67, %get3A_68] {strides = array<i32>} : memref<128x16xf32, #tpu.memory_space<vmem>>, vector<1x16xf32>,
        %get3A_70 = vector.shape_cast %get3A_69 : vector<1x16xf32> to vector<16xf32>
        %get3A_71 = arith.index_cast %scan3A_34 : i32 to index
        %get3A_72 = arith.constant 16 : index
        %get3A_73 = tpu.vector_load %arg13[%get3A_71, %get3A_72] {strides = array<i32>} : memref<128x128xf32, #tpu.memory_space<vmem>>, vector<1x16xf32>,
        %get3A_74 = vector.shape_cast %get3A_73 : vector<1x16xf32> to vector<16xf32>
        %mul3A_75 = arith.mulf %get3A_70, %get3A_74 : vector<16xf32>
        %get3A_76 = arith.index_cast %scan3A_34 : i32 to index
        %get3A_77 = arith.constant 0 : index
        %get3A_78 = tpu.vector_load %arg17[%get3A_76, %get3A_77] {strides = array<i32>} : memref<128x16xf32, #tpu.memory_space<vmem>>, vector<1x16xf32>,
        %get3A_79 = vector.shape_cast %get3A_78 : vector<1x16xf32> to vector<16xf32>
        %get3A_80 = arith.index_cast %scan3A_34 : i32 to index
        %get3A_81 = arith.constant 16 : index
        %get3A_82 = tpu.vector_load %arg14[%get3A_80, %get3A_81] {strides = array<i32>} : memref<128x128xf32, #tpu.memory_space<vmem>>, vector<1x16xf32>,
        %get3A_83 = vector.shape_cast %get3A_82 : vector<1x16xf32> to vector<16xf32>
        %mul3A_84 = arith.mulf %get3A_79, %get3A_83 : vector<16xf32>
        %add3A_85 = arith.addf %mul3A_75, %mul3A_84 : vector<16xf32>
        %get3A_86 = arith.index_cast %scan3A_34 : i32 to index
        %get3A_87 = arith.constant 0 : index
        %get3A_88 = tpu.vector_load %arg18[%get3A_86, %get3A_87] {strides = array<i32>} : memref<128x16xf32, #tpu.memory_space<vmem>>, vector<1x16xf32>,
        %get3A_89 = vector.shape_cast %get3A_88 : vector<1x16xf32> to vector<16xf32>
        %get3A_90 = arith.index_cast %scan3A_34 : i32 to index
        %get3A_91 = arith.constant 16 : index
        %get3A_92 = tpu.vector_load %arg15[%get3A_90, %get3A_91] {strides = array<i32>} : memref<128x128xf32, #tpu.memory_space<vmem>>, vector<1x16xf32>,
        %get3A_93 = vector.shape_cast %get3A_92 : vector<1x16xf32> to vector<16xf32>
        %mul3A_94 = arith.mulf %get3A_89, %get3A_93 : vector<16xf32>
        %add3A_95 = arith.addf %add3A_85, %mul3A_94 : vector<16xf32>
        %swap3A_96 = arith.index_cast %scan3A_34 : i32 to index
        %swap3A_97 = arith.constant 16 : index
        %swap3A_98 = tpu.vector_load %arg19[%swap3A_96, %swap3A_97] {strides = array<i32>} : memref<128x128xf32, #tpu.memory_space<vmem>>, vector<1x16xf32>,
        %swap3A_99 = vector.shape_cast %swap3A_98 : vector<1x16xf32> to vector<16xf32>
        %swap3A_100 = vector.shape_cast %add3A_95 : vector<16xf32> to vector<1x16xf32>
        tpu.vector_store %arg19[%swap3A_96, %swap3A_97], %swap3A_100 {strides = array<i32>} : memref<128x128xf32, #tpu.memory_space<vmem>>, vector<1x16xf32>,
        %get3A_101 = arith.index_cast %scan3A_34 : i32 to index
        %get3A_102 = arith.constant 0 : index
        %get3A_103 = tpu.vector_load %arg16[%get3A_101, %get3A_102] {strides = array<i32>} : memref<128x16xf32, #tpu.memory_space<vmem>>, vector<1x16xf32>,
        %get3A_104 = vector.shape_cast %get3A_103 : vector<1x16xf32> to vector<16xf32>
        %get3A_105 = arith.index_cast %scan3A_34 : i32 to index
        %get3A_106 = arith.constant 32 : index
        %get3A_107 = tpu.vector_load %arg13[%get3A_105, %get3A_106] {strides = array<i32>} : memref<128x128xf32, #tpu.memory_space<vmem>>, vector<1x16xf32>,
        %get3A_108 = vector.shape_cast %get3A_107 : vector<1x16xf32> to vector<16xf32>
        %mul3A_109 = arith.mulf %get3A_104, %get3A_108 : vector<16xf32>
        %get3A_110 = arith.index_cast %scan3A_34 : i32 to index
        %get3A_111 = arith.constant 0 : index
        %get3A_112 = tpu.vector_load %arg17[%get3A_110, %get3A_111] {strides = array<i32>} : memref<128x16xf32, #tpu.memory_space<vmem>>, vector<1x16xf32>,
        %get3A_113 = vector.shape_cast %get3A_112 : vector<1x16xf32> to vector<16xf32>
        %get3A_114 = arith.index_cast %scan3A_34 : i32 to index
        %get3A_115 = arith.constant 32 : index
        %get3A_116 = tpu.vector_load %arg14[%get3A_114, %get3A_115] {strides = array<i32>} : memref<128x128xf32, #tpu.memory_space<vmem>>, vector<1x16xf32>,
        %get3A_117 = vector.shape_cast %get3A_116 : vector<1x16xf32> to vector<16xf32>
        %mul3A_118 = arith.mulf %get3A_113, %get3A_117 : vector<16xf32>
        %add3A_119 = arith.addf %mul3A_109, %mul3A_118 : vector<16xf32>
        %get3A_120 = arith.index_cast %scan3A_34 : i32 to index
        %get3A_121 = arith.constant 0 : index
        %get3A_122 = tpu.vector_load %arg18[%get3A_120, %get3A_121] {strides = array<i32>} : memref<128x16xf32, #tpu.memory_space<vmem>>, vector<1x16xf32>,
        %get3A_123 = vector.shape_cast %get3A_122 : vector<1x16xf32> to vector<16xf32>
        %get3A_124 = arith.index_cast %scan3A_34 : i32 to index
        %get3A_125 = arith.constant 32 : index
        %get3A_126 = tpu.vector_load %arg15[%get3A_124, %get3A_125] {strides = array<i32>} : memref<128x128xf32, #tpu.memory_space<vmem>>, vector<1x16xf32>,
        %get3A_127 = vector.shape_cast %get3A_126 : vector<1x16xf32> to vector<16xf32>
        %mul3A_128 = arith.mulf %get3A_123, %get3A_127 : vector<16xf32>
        %add3A_129 = arith.addf %add3A_119, %mul3A_128 : vector<16xf32>
        %swap3A_130 = arith.index_cast %scan3A_34 : i32 to index
        %swap3A_131 = arith.constant 32 : index
        %swap3A_132 = tpu.vector_load %arg19[%swap3A_130, %swap3A_131] {strides = array<i32>} : memref<128x128xf32, #tpu.memory_space<vmem>>, vector<1x16xf32>,
        %swap3A_133 = vector.shape_cast %swap3A_132 : vector<1x16xf32> to vector<16xf32>
        %swap3A_134 = vector.shape_cast %add3A_129 : vector<16xf32> to vector<1x16xf32>
        tpu.vector_store %arg19[%swap3A_130, %swap3A_131], %swap3A_134 {strides = array<i32>} : memref<128x128xf32, #tpu.memory_space<vmem>>, vector<1x16xf32>,
        %get3A_135 = arith.index_cast %scan3A_34 : i32 to index
        %get3A_136 = arith.constant 0 : index
        %get3A_137 = tpu.vector_load %arg16[%get3A_135, %get3A_136] {strides = array<i32>} : memref<128x16xf32, #tpu.memory_space<vmem>>, vector<1x16xf32>,
        %get3A_138 = vector.shape_cast %get3A_137 : vector<1x16xf32> to vector<16xf32>
        %get3A_139 = arith.index_cast %scan3A_34 : i32 to index
        %get3A_140 = arith.constant 48 : index
        %get3A_141 = tpu.vector_load %arg13[%get3A_139, %get3A_140] {strides = array<i32>} : memref<128x128xf32, #tpu.memory_space<vmem>>, vector<1x16xf32>,
        %get3A_142 = vector.shape_cast %get3A_141 : vector<1x16xf32> to vector<16xf32>
        %mul3A_143 = arith.mulf %get3A_138, %get3A_142 : vector<16xf32>
        %get3A_144 = arith.index_cast %scan3A_34 : i32 to index
        %get3A_145 = arith.constant 0 : index
        %get3A_146 = tpu.vector_load %arg17[%get3A_144, %get3A_145] {strides = array<i32>} : memref<128x16xf32, #tpu.memory_space<vmem>>, vector<1x16xf32>,
        %get3A_147 = vector.shape_cast %get3A_146 : vector<1x16xf32> to vector<16xf32>
        %get3A_148 = arith.index_cast %scan3A_34 : i32 to index
        %get3A_149 = arith.constant 48 : index
        %get3A_150 = tpu.vector_load %arg14[%get3A_148, %get3A_149] {strides = array<i32>} : memref<128x128xf32, #tpu.memory_space<vmem>>, vector<1x16xf32>,
        %get3A_151 = vector.shape_cast %get3A_150 : vector<1x16xf32> to vector<16xf32>
        %mul3A_152 = arith.mulf %get3A_147, %get3A_151 : vector<16xf32>
        %add3A_153 = arith.addf %mul3A_143, %mul3A_152 : vector<16xf32>
        %get3A_154 = arith.index_cast %scan3A_34 : i32 to index
        %get3A_155 = arith.constant 0 : index
        %get3A_156 = tpu.vector_load %arg18[%get3A_154, %get3A_155] {strides = array<i32>} : memref<128x16xf32, #tpu.memory_space<vmem>>, vector<1x16xf32>,
        %get3A_157 = vector.shape_cast %get3A_156 : vector<1x16xf32> to vector<16xf32>
        %get3A_158 = arith.index_cast %scan3A_34 : i32 to index
        %get3A_159 = arith.constant 48 : index
        %get3A_160 = tpu.vector_load %arg15[%get3A_158, %get3A_159] {strides = array<i32>} : memref<128x128xf32, #tpu.memory_space<vmem>>, vector<1x16xf32>,
        %get3A_161 = vector.shape_cast %get3A_160 : vector<1x16xf32> to vector<16xf32>
        %mul3A_162 = arith.mulf %get3A_157, %get3A_161 : vector<16xf32>
        %add3A_163 = arith.addf %add3A_153, %mul3A_162 : vector<16xf32>
        %swap3A_164 = arith.index_cast %scan3A_34 : i32 to index
        %swap3A_165 = arith.constant 48 : index
        %swap3A_166 = tpu.vector_load %arg19[%swap3A_164, %swap3A_165] {strides = array<i32>} : memref<128x128xf32, #tpu.memory_space<vmem>>, vector<1x16xf32>,
        %swap3A_167 = vector.shape_cast %swap3A_166 : vector<1x16xf32> to vector<16xf32>
        %swap3A_168 = vector.shape_cast %add3A_163 : vector<16xf32> to vector<1x16xf32>
        tpu.vector_store %arg19[%swap3A_164, %swap3A_165], %swap3A_168 {strides = array<i32>} : memref<128x128xf32, #tpu.memory_space<vmem>>, vector<1x16xf32>,
        %get3A_169 = arith.index_cast %scan3A_34 : i32 to index
        %get3A_170 = arith.constant 0 : index
        %get3A_171 = tpu.vector_load %arg16[%get3A_169, %get3A_170] {strides = array<i32>} : memref<128x16xf32, #tpu.memory_space<vmem>>, vector<1x16xf32>,
        %get3A_172 = vector.shape_cast %get3A_171 : vector<1x16xf32> to vector<16xf32>
        %get3A_173 = arith.index_cast %scan3A_34 : i32 to index
        %get3A_174 = arith.constant 64 : index
        %get3A_175 = tpu.vector_load %arg13[%get3A_173, %get3A_174] {strides = array<i32>} : memref<128x128xf32, #tpu.memory_space<vmem>>, vector<1x16xf32>,
        %get3A_176 = vector.shape_cast %get3A_175 : vector<1x16xf32> to vector<16xf32>
        %mul3A_177 = arith.mulf %get3A_172, %get3A_176 : vector<16xf32>
        %get3A_178 = arith.index_cast %scan3A_34 : i32 to index
        %get3A_179 = arith.constant 0 : index
        %get3A_180 = tpu.vector_load %arg17[%get3A_178, %get3A_179] {strides = array<i32>} : memref<128x16xf32, #tpu.memory_space<vmem>>, vector<1x16xf32>,
        %get3A_181 = vector.shape_cast %get3A_180 : vector<1x16xf32> to vector<16xf32>
        %get3A_182 = arith.index_cast %scan3A_34 : i32 to index
        %get3A_183 = arith.constant 64 : index
        %get3A_184 = tpu.vector_load %arg14[%get3A_182, %get3A_183] {strides = array<i32>} : memref<128x128xf32, #tpu.memory_space<vmem>>, vector<1x16xf32>,
        %get3A_185 = vector.shape_cast %get3A_184 : vector<1x16xf32> to vector<16xf32>
        %mul3A_186 = arith.mulf %get3A_181, %get3A_185 : vector<16xf32>
        %add3A_187 = arith.addf %mul3A_177, %mul3A_186 : vector<16xf32>
        %get3A_188 = arith.index_cast %scan3A_34 : i32 to index
        %get3A_189 = arith.constant 0 : index
        %get3A_190 = tpu.vector_load %arg18[%get3A_188, %get3A_189] {strides = array<i32>} : memref<128x16xf32, #tpu.memory_space<vmem>>, vector<1x16xf32>,
        %get3A_191 = vector.shape_cast %get3A_190 : vector<1x16xf32> to vector<16xf32>
        %get3A_192 = arith.index_cast %scan3A_34 : i32 to index
        %get3A_193 = arith.constant 64 : index
        %get3A_194 = tpu.vector_load %arg15[%get3A_192, %get3A_193] {strides = array<i32>} : memref<128x128xf32, #tpu.memory_space<vmem>>, vector<1x16xf32>,
        %get3A_195 = vector.shape_cast %get3A_194 : vector<1x16xf32> to vector<16xf32>
        %mul3A_196 = arith.mulf %get3A_191, %get3A_195 : vector<16xf32>
        %add3A_197 = arith.addf %add3A_187, %mul3A_196 : vector<16xf32>
        %swap3A_198 = arith.index_cast %scan3A_34 : i32 to index
        %swap3A_199 = arith.constant 64 : index
        %swap3A_200 = tpu.vector_load %arg19[%swap3A_198, %swap3A_199] {strides = array<i32>} : memref<128x128xf32, #tpu.memory_space<vmem>>, vector<1x16xf32>,
        %swap3A_201 = vector.shape_cast %swap3A_200 : vector<1x16xf32> to vector<16xf32>
        %swap3A_202 = vector.shape_cast %add3A_197 : vector<16xf32> to vector<1x16xf32>
        tpu.vector_store %arg19[%swap3A_198, %swap3A_199], %swap3A_202 {strides = array<i32>} : memref<128x128xf32, #tpu.memory_space<vmem>>, vector<1x16xf32>,
        %get3A_203 = arith.index_cast %scan3A_34 : i32 to index
        %get3A_204 = arith.constant 0 : index
        %get3A_205 = tpu.vector_load %arg16[%get3A_203, %get3A_204] {strides = array<i32>} : memref<128x16xf32, #tpu.memory_space<vmem>>, vector<1x16xf32>,
        %get3A_206 = vector.shape_cast %get3A_205 : vector<1x16xf32> to vector<16xf32>
        %get3A_207 = arith.index_cast %scan3A_34 : i32 to index
        %get3A_208 = arith.constant 80 : index
        %get3A_209 = tpu.vector_load %arg13[%get3A_207, %get3A_208] {strides = array<i32>} : memref<128x128xf32, #tpu.memory_space<vmem>>, vector<1x16xf32>,
        %get3A_210 = vector.shape_cast %get3A_209 : vector<1x16xf32> to vector<16xf32>
        %mul3A_211 = arith.mulf %get3A_206, %get3A_210 : vector<16xf32>
        %get3A_212 = arith.index_cast %scan3A_34 : i32 to index
        %get3A_213 = arith.constant 0 : index
        %get3A_214 = tpu.vector_load %arg17[%get3A_212, %get3A_213] {strides = array<i32>} : memref<128x16xf32, #tpu.memory_space<vmem>>, vector<1x16xf32>,
        %get3A_215 = vector.shape_cast %get3A_214 : vector<1x16xf32> to vector<16xf32>
        %get3A_216 = arith.index_cast %scan3A_34 : i32 to index
        %get3A_217 = arith.constant 80 : index
        %get3A_218 = tpu.vector_load %arg14[%get3A_216, %get3A_217] {strides = array<i32>} : memref<128x128xf32, #tpu.memory_space<vmem>>, vector<1x16xf32>,
        %get3A_219 = vector.shape_cast %get3A_218 : vector<1x16xf32> to vector<16xf32>
        %mul3A_220 = arith.mulf %get3A_215, %get3A_219 : vector<16xf32>
        %add3A_221 = arith.addf %mul3A_211, %mul3A_220 : vector<16xf32>
        %get3A_222 = arith.index_cast %scan3A_34 : i32 to index
        %get3A_223 = arith.constant 0 : index
        %get3A_224 = tpu.vector_load %arg18[%get3A_222, %get3A_223] {strides = array<i32>} : memref<128x16xf32, #tpu.memory_space<vmem>>, vector<1x16xf32>,
        %get3A_225 = vector.shape_cast %get3A_224 : vector<1x16xf32> to vector<16xf32>
        %get3A_226 = arith.index_cast %scan3A_34 : i32 to index
        %get3A_227 = arith.constant 80 : index
        %get3A_228 = tpu.vector_load %arg15[%get3A_226, %get3A_227] {strides = array<i32>} : memref<128x128xf32, #tpu.memory_space<vmem>>, vector<1x16xf32>,
        %get3A_229 = vector.shape_cast %get3A_228 : vector<1x16xf32> to vector<16xf32>
        %mul3A_230 = arith.mulf %get3A_225, %get3A_229 : vector<16xf32>
        %add3A_231 = arith.addf %add3A_221, %mul3A_230 : vector<16xf32>
        %swap3A_232 = arith.index_cast %scan3A_34 : i32 to index
        %swap3A_233 = arith.constant 80 : index
        %swap3A_234 = tpu.vector_load %arg19[%swap3A_232, %swap3A_233] {strides = array<i32>} : memref<128x128xf32, #tpu.memory_space<vmem>>, vector<1x16xf32>,
        %swap3A_235 = vector.shape_cast %swap3A_234 : vector<1x16xf32> to vector<16xf32>
        %swap3A_236 = vector.shape_cast %add3A_231 : vector<16xf32> to vector<1x16xf32>
        tpu.vector_store %arg19[%swap3A_232, %swap3A_233], %swap3A_236 {strides = array<i32>} : memref<128x128xf32, #tpu.memory_space<vmem>>, vector<1x16xf32>,
        %get3A_237 = arith.index_cast %scan3A_34 : i32 to index
        %get3A_238 = arith.constant 0 : index
        %get3A_239 = tpu.vector_load %arg16[%get3A_237, %get3A_238] {strides = array<i32>} : memref<128x16xf32, #tpu.memory_space<vmem>>, vector<1x16xf32>,
        %get3A_240 = vector.shape_cast %get3A_239 : vector<1x16xf32> to vector<16xf32>
        %get3A_241 = arith.index_cast %scan3A_34 : i32 to index
        %get3A_242 = arith.constant 96 : index
        %get3A_243 = tpu.vector_load %arg13[%get3A_241, %get3A_242] {strides = array<i32>} : memref<128x128xf32, #tpu.memory_space<vmem>>, vector<1x16xf32>,
        %get3A_244 = vector.shape_cast %get3A_243 : vector<1x16xf32> to vector<16xf32>
        %mul3A_245 = arith.mulf %get3A_240, %get3A_244 : vector<16xf32>
        %get3A_246 = arith.index_cast %scan3A_34 : i32 to index
        %get3A_247 = arith.constant 0 : index
        %get3A_248 = tpu.vector_load %arg17[%get3A_246, %get3A_247] {strides = array<i32>} : memref<128x16xf32, #tpu.memory_space<vmem>>, vector<1x16xf32>,
        %get3A_249 = vector.shape_cast %get3A_248 : vector<1x16xf32> to vector<16xf32>
        %get3A_250 = arith.index_cast %scan3A_34 : i32 to index
        %get3A_251 = arith.constant 96 : index
        %get3A_252 = tpu.vector_load %arg14[%get3A_250, %get3A_251] {strides = array<i32>} : memref<128x128xf32, #tpu.memory_space<vmem>>, vector<1x16xf32>,
        %get3A_253 = vector.shape_cast %get3A_252 : vector<1x16xf32> to vector<16xf32>
        %mul3A_254 = arith.mulf %get3A_249, %get3A_253 : vector<16xf32>
        %add3A_255 = arith.addf %mul3A_245, %mul3A_254 : vector<16xf32>
        %get3A_256 = arith.index_cast %scan3A_34 : i32 to index
        %get3A_257 = arith.constant 0 : index
        %get3A_258 = tpu.vector_load %arg18[%get3A_256, %get3A_257] {strides = array<i32>} : memref<128x16xf32, #tpu.memory_space<vmem>>, vector<1x16xf32>,
        %get3A_259 = vector.shape_cast %get3A_258 : vector<1x16xf32> to vector<16xf32>
        %get3A_260 = arith.index_cast %scan3A_34 : i32 to index
        %get3A_261 = arith.constant 96 : index
        %get3A_262 = tpu.vector_load %arg15[%get3A_260, %get3A_261] {strides = array<i32>} : memref<128x128xf32, #tpu.memory_space<vmem>>, vector<1x16xf32>,
        %get3A_263 = vector.shape_cast %get3A_262 : vector<1x16xf32> to vector<16xf32>
        %mul3A_264 = arith.mulf %get3A_259, %get3A_263 : vector<16xf32>
        %add3A_265 = arith.addf %add3A_255, %mul3A_264 : vector<16xf32>
        %swap3A_266 = arith.index_cast %scan3A_34 : i32 to index
        %swap3A_267 = arith.constant 96 : index
        %swap3A_268 = tpu.vector_load %arg19[%swap3A_266, %swap3A_267] {strides = array<i32>} : memref<128x128xf32, #tpu.memory_space<vmem>>, vector<1x16xf32>,
        %swap3A_269 = vector.shape_cast %swap3A_268 : vector<1x16xf32> to vector<16xf32>
        %swap3A_270 = vector.shape_cast %add3A_265 : vector<16xf32> to vector<1x16xf32>
        tpu.vector_store %arg19[%swap3A_266, %swap3A_267], %swap3A_270 {strides = array<i32>} : memref<128x128xf32, #tpu.memory_space<vmem>>, vector<1x16xf32>,
        %get3A_271 = arith.index_cast %scan3A_34 : i32 to index
        %get3A_272 = arith.constant 0 : index
        %get3A_273 = tpu.vector_load %arg16[%get3A_271, %get3A_272] {strides = array<i32>} : memref<128x16xf32, #tpu.memory_space<vmem>>, vector<1x16xf32>,
        %get3A_274 = vector.shape_cast %get3A_273 : vector<1x16xf32> to vector<16xf32>
        %get3A_275 = arith.index_cast %scan3A_34 : i32 to index
        %get3A_276 = arith.constant 112 : index
        %get3A_277 = tpu.vector_load %arg13[%get3A_275, %get3A_276] {strides = array<i32>} : memref<128x128xf32, #tpu.memory_space<vmem>>, vector<1x16xf32>,
        %get3A_278 = vector.shape_cast %get3A_277 : vector<1x16xf32> to vector<16xf32>
        %mul3A_279 = arith.mulf %get3A_274, %get3A_278 : vector<16xf32>
        %get3A_280 = arith.index_cast %scan3A_34 : i32 to index
        %get3A_281 = arith.constant 0 : index
        %get3A_282 = tpu.vector_load %arg17[%get3A_280, %get3A_281] {strides = array<i32>} : memref<128x16xf32, #tpu.memory_space<vmem>>, vector<1x16xf32>,
        %get3A_283 = vector.shape_cast %get3A_282 : vector<1x16xf32> to vector<16xf32>
        %get3A_284 = arith.index_cast %scan3A_34 : i32 to index
        %get3A_285 = arith.constant 112 : index
        %get3A_286 = tpu.vector_load %arg14[%get3A_284, %get3A_285] {strides = array<i32>} : memref<128x128xf32, #tpu.memory_space<vmem>>, vector<1x16xf32>,
        %get3A_287 = vector.shape_cast %get3A_286 : vector<1x16xf32> to vector<16xf32>
        %mul3A_288 = arith.mulf %get3A_283, %get3A_287 : vector<16xf32>
        %add3A_289 = arith.addf %mul3A_279, %mul3A_288 : vector<16xf32>
        %get3A_290 = arith.index_cast %scan3A_34 : i32 to index
        %get3A_291 = arith.constant 0 : index
        %get3A_292 = tpu.vector_load %arg18[%get3A_290, %get3A_291] {strides = array<i32>} : memref<128x16xf32, #tpu.memory_space<vmem>>, vector<1x16xf32>,
        %get3A_293 = vector.shape_cast %get3A_292 : vector<1x16xf32> to vector<16xf32>
        %get3A_294 = arith.index_cast %scan3A_34 : i32 to index
        %get3A_295 = arith.constant 112 : index
        %get3A_296 = tpu.vector_load %arg15[%get3A_294, %get3A_295] {strides = array<i32>} : memref<128x128xf32, #tpu.memory_space<vmem>>, vector<1x16xf32>,
        %get3A_297 = vector.shape_cast %get3A_296 : vector<1x16xf32> to vector<16xf32>
        %mul3A_298 = arith.mulf %get3A_293, %get3A_297 : vector<16xf32>
        %add3A_299 = arith.addf %add3A_289, %mul3A_298 : vector<16xf32>
        %swap3A_300 = arith.index_cast %scan3A_34 : i32 to index
        %swap3A_301 = arith.constant 112 : index
        %swap3A_302 = tpu.vector_load %arg19[%swap3A_300, %swap3A_301] {strides = array<i32>} : memref<128x128xf32, #tpu.memory_space<vmem>>, vector<1x16xf32>,
        %swap3A_303 = vector.shape_cast %swap3A_302 : vector<1x16xf32> to vector<16xf32>
        %swap3A_304 = vector.shape_cast %add3A_299 : vector<16xf32> to vector<1x16xf32>
        tpu.vector_store %arg19[%swap3A_300, %swap3A_301], %swap3A_304 {strides = array<i32>} : memref<128x128xf32, #tpu.memory_space<vmem>>, vector<1x16xf32>,
      }
      %scan3A_33 = arith.constant 128 : i32
      "tpu.region"() ({
        %run_scoped3A = tpu.sem_alloc : memref<!tpu.dma_semaphore, #tpu.memory_space<semaphore_mem>>
        %dma_start3A_34 = arith.constant 0 : i32
        %dma_start3A_35 = tpu.memref_slice %arg9[%add3A_11, %dma_start3A_34] : memref<16384x128xf32, #tpu.memory_space<hbm>> -> memref<128x128xf32, #tpu.memory_space<hbm>>
        %dma_start3A_36 = arith.constant 0 : i32
        %dma_start3A_37 = tpu.memref_slice %arg9[%add3A_11, %dma_start3A_36] : memref<16384x128xf32, #tpu.memory_space<hbm>> -> memref<128x128xf32, #tpu.memory_space<hbm>>
        tpu.enqueue_dma source(%arg19 : memref<128x128xf32, #tpu.memory_space<vmem>>) target(%dma_start3A_37 : memref<128x128xf32, #tpu.memory_space<hbm>>) target_semaphore(%run_scoped3A : memref<!tpu.dma_semaphore, #tpu.memory_space<semaphore_mem>>)
        %dma_wait3A_38 = arith.constant 0 : i32
        %dma_wait3A_39 = tpu.memref_slice %arg9[%add3A_11, %dma_wait3A_38] : memref<16384x128xf32, #tpu.memory_space<hbm>> -> memref<128x128xf32, #tpu.memory_space<hbm>>
        %dma_wait3A_40 = arith.constant 0 : i32
        %dma_wait3A_41 = tpu.memref_slice %arg9[%add3A_11, %dma_wait3A_40] : memref<16384x128xf32, #tpu.memory_space<hbm>> -> memref<128x128xf32, #tpu.memory_space<hbm>>
        tpu.wait_dma2 semaphore(%run_scoped3A : memref<!tpu.dma_semaphore, #tpu.memory_space<semaphore_mem>>) src(%arg19 : memref<128x128xf32, #tpu.memory_space<vmem>>) dst(%dma_wait3A_41 : memref<128x128xf32, #tpu.memory_space<hbm>>)
        tpu.yield
      }) : () -> ()
    }
    %scan3A_7 = arith.constant 4 : i32
    return
  }
}

module attributes {stable_mosaic.version = 14 : i64} {
  func.func @_knn_body(%arg0: i32, %arg1: i32, %arg2: memref<1x3x512xf32, #tpu.memory_space<vmem>>, %arg3: memref<1x3x512xf32, #tpu.memory_space<vmem>>, %arg4: memref<1x1x512xi32, #tpu.memory_space<vmem>>, %arg5: memref<1x1x512xi32, #tpu.memory_space<vmem>>, %arg6: memref<1x1x512xi32, #tpu.memory_space<vmem>>, %arg7: memref<1x1x512xf32, #tpu.memory_space<vmem>>, %arg8: memref<1x1x512xf32, #tpu.memory_space<vmem>>, %arg9: memref<1x1x512xf32, #tpu.memory_space<vmem>>) attributes {dimension_semantics = [#tpu.dimension_semantics<arbitrary>, #tpu.dimension_semantics<arbitrary>], iteration_bounds = array<i64: 8, 4>, scalar_prefetch = 0 : i64, scratch_operands = 0 : i64, tpu.core_type = #tpu.core_type<tc>, window_params = [{transform_indices = @transform_0, window_bounds = array<i64: 1, 3, 512>}, {transform_indices = @transform_1, window_bounds = array<i64: 1, 3, 512>}, {transform_indices = @transform_2, window_bounds = array<i64: 1, 1, 512>}, {transform_indices = @transform_3, window_bounds = array<i64: 1, 1, 512>}, {transform_indices = @transform_4, window_bounds = array<i64: 1, 1, 512>}, {transform_indices = @transform_5, window_bounds = array<i64: 1, 1, 512>}, {transform_indices = @transform_6, window_bounds = array<i64: 1, 1, 512>}, {transform_indices = @transform_7, window_bounds = array<i64: 1, 1, 512>}]} {
    %get3A = arith.constant 0 : index
    %get3A_0 = arith.constant 0 : index
    %get3A_1 = arith.constant 0 : index
    %get3A_2 = vector.load %arg2[%get3A, %get3A_0, %get3A_1] : memref<1x3x512xf32, #tpu.memory_space<vmem>>, vector<1x3x512xf32>
    %get3A_3 = vector.shape_cast %get3A_2 : vector<1x3x512xf32> to vector<3x512xf32>
    %get3A_4 = arith.constant 0 : index
    %get3A_5 = arith.constant 0 : index
    %get3A_6 = arith.constant 0 : index
    %get3A_7 = vector.load %arg3[%get3A_4, %get3A_5, %get3A_6] : memref<1x3x512xf32, #tpu.memory_space<vmem>>, vector<1x3x512xf32>
    %get3A_8 = vector.shape_cast %get3A_7 : vector<1x3x512xf32> to vector<3x512xf32>
    %dot_general3A = arith.constant dense<0.000000e+00> : vector<512x512xf32>
    %dot_general3A_9 = tpu.matmul %get3A_3, %get3A_8, %dot_general3A {dimension_numbers = #tpu.dot_dimension_numbers<[0], [0], [1], [1], [0, 1, 1, 1], [], []>, transpose_lhs_hint = false} : vector<3x512xf32>, vector<3x512xf32>, vector<512x512xf32> -> vector<512x512xf32>
    %mul3A = arith.constant -2.000000e+00 : f32
    %mul3A_10 = vector.broadcast %mul3A : f32 to vector<512x512xf32>
    %mul3A_11 = arith.mulf %mul3A_10, %dot_general3A_9 : vector<512x512xf32>
    %mul3A_12 = arith.mulf %get3A_3, %get3A_3 : vector<3x512xf32>
    %reduce_sum3A = arith.constant dense<0.000000e+00> : vector<512xf32>
    %reduce_sum3A_13 = vector.multi_reduction <add>, %mul3A_12, %reduce_sum3A [0] : vector<3x512xf32> to vector<512xf32>
    %broadcast_in_dim3A = vector.shape_cast %reduce_sum3A_13 : vector<512xf32> to vector<512x1xf32>
    %add3A = vector.broadcast %broadcast_in_dim3A : vector<512x1xf32> to vector<512x512xf32>
    %add3A_14 = arith.addf %mul3A_11, %add3A : vector<512x512xf32>
    %mul3A_15 = arith.mulf %get3A_8, %get3A_8 : vector<3x512xf32>
    %reduce_sum3A_16 = arith.constant dense<0.000000e+00> : vector<512xf32>
    %reduce_sum3A_17 = vector.multi_reduction <add>, %mul3A_15, %reduce_sum3A_16 [0] : vector<3x512xf32> to vector<512xf32>
    %broadcast_in_dim3A_18 = vector.shape_cast %reduce_sum3A_17 : vector<512xf32> to vector<1x512xf32>
    %add3A_19 = vector.broadcast %broadcast_in_dim3A_18 : vector<1x512xf32> to vector<512x512xf32>
    %add3A_20 = arith.addf %add3A_14, %add3A_19 : vector<512x512xf32>
    %iota3A = tpu.iota {dimensions = array<i32: 1>} : vector<512x512xi32>
    %reduce_min3A = arith.constant dense<0x7F800000> : vector<512xf32>
    %reduce_min3A_21 = vector.multi_reduction <minimumf>, %add3A_20, %reduce_min3A [1] : vector<512x512xf32> to vector<512xf32>
    %broadcast_in_dim3A_22 = vector.shape_cast %reduce_min3A_21 : vector<512xf32> to vector<512x1xf32>
    %eq3A = vector.broadcast %broadcast_in_dim3A_22 : vector<512x1xf32> to vector<512x512xf32>
    %eq3A_23 = arith.cmpf oeq, %add3A_20, %eq3A : vector<512x512xf32>
    %jit3A = arith.constant 512 : i32
    %broadcast_in_dim3A_24 = vector.broadcast %jit3A : i32 to vector<512x512xi32>
    %select_n3A = arith.select %eq3A_23, %iota3A, %broadcast_in_dim3A_24 : vector<512x512xi1>, vector<512x512xi32>
    %reduce_min3A_25 = arith.constant dense<2147483647> : vector<512xi32>
    %reduce_min3A_26 = vector.multi_reduction <minsi>, %select_n3A, %reduce_min3A_25 [1] : vector<512x512xi32> to vector<512xi32>
    %broadcast_in_dim3A_27 = vector.shape_cast %reduce_min3A_26 : vector<512xi32> to vector<512x1xi32>
    %eq3A_28 = vector.broadcast %broadcast_in_dim3A_27 : vector<512x1xi32> to vector<512x512xi32>
    %eq3A_29 = arith.cmpi eq, %iota3A, %eq3A_28 : vector<512x512xi32>
    %jit3A_30 = arith.constant 0x7F800000 : f32
    %broadcast_in_dim3A_31 = vector.broadcast %jit3A_30 : f32 to vector<512x512xf32>
    %select_n3A_32 = arith.select %eq3A_29, %broadcast_in_dim3A_31, %add3A_20 : vector<512x512xi1>, vector<512x512xf32>
    %reduce_min3A_33 = arith.constant dense<0x7F800000> : vector<512xf32>
    %reduce_min3A_34 = vector.multi_reduction <minimumf>, %select_n3A_32, %reduce_min3A_33 [1] : vector<512x512xf32> to vector<512xf32>
    %broadcast_in_dim3A_35 = vector.shape_cast %reduce_min3A_34 : vector<512xf32> to vector<512x1xf32>
    %eq3A_36 = vector.broadcast %broadcast_in_dim3A_35 : vector<512x1xf32> to vector<512x512xf32>
    %eq3A_37 = arith.cmpf oeq, %select_n3A_32, %eq3A_36 : vector<512x512xf32>
    %jit3A_38 = arith.constant 512 : i32
    %broadcast_in_dim3A_39 = vector.broadcast %jit3A_38 : i32 to vector<512x512xi32>
    %select_n3A_40 = arith.select %eq3A_37, %iota3A, %broadcast_in_dim3A_39 : vector<512x512xi1>, vector<512x512xi32>
    %reduce_min3A_41 = arith.constant dense<2147483647> : vector<512xi32>
    %reduce_min3A_42 = vector.multi_reduction <minsi>, %select_n3A_40, %reduce_min3A_41 [1] : vector<512x512xi32> to vector<512xi32>
    %broadcast_in_dim3A_43 = vector.shape_cast %reduce_min3A_42 : vector<512xi32> to vector<512x1xi32>
    %eq3A_44 = vector.broadcast %broadcast_in_dim3A_43 : vector<512x1xi32> to vector<512x512xi32>
    %eq3A_45 = arith.cmpi eq, %iota3A, %eq3A_44 : vector<512x512xi32>
    %jit3A_46 = arith.constant 0x7F800000 : f32
    %broadcast_in_dim3A_47 = vector.broadcast %jit3A_46 : f32 to vector<512x512xf32>
    %select_n3A_48 = arith.select %eq3A_45, %broadcast_in_dim3A_47, %select_n3A_32 : vector<512x512xi1>, vector<512x512xf32>
    %reduce_min3A_49 = arith.constant dense<0x7F800000> : vector<512xf32>
    %reduce_min3A_50 = vector.multi_reduction <minimumf>, %select_n3A_48, %reduce_min3A_49 [1] : vector<512x512xf32> to vector<512xf32>
    %broadcast_in_dim3A_51 = vector.shape_cast %reduce_min3A_50 : vector<512xf32> to vector<512x1xf32>
    %eq3A_52 = vector.broadcast %broadcast_in_dim3A_51 : vector<512x1xf32> to vector<512x512xf32>
    %eq3A_53 = arith.cmpf oeq, %select_n3A_48, %eq3A_52 : vector<512x512xf32>
    %jit3A_54 = arith.constant 512 : i32
    %broadcast_in_dim3A_55 = vector.broadcast %jit3A_54 : i32 to vector<512x512xi32>
    %select_n3A_56 = arith.select %eq3A_53, %iota3A, %broadcast_in_dim3A_55 : vector<512x512xi1>, vector<512x512xi32>
    %reduce_min3A_57 = arith.constant dense<2147483647> : vector<512xi32>
    %reduce_min3A_58 = vector.multi_reduction <minsi>, %select_n3A_56, %reduce_min3A_57 [1] : vector<512x512xi32> to vector<512xi32>
    %add3A_59 = arith.constant 9.99999993E-9 : f32
    %add3A_60 = vector.broadcast %add3A_59 : f32 to vector<512xf32>
    %add3A_61 = arith.addf %reduce_min3A_21, %add3A_60 : vector<512xf32>
    %div3A = arith.constant 1.000000e+00 : f32
    %div3A_62 = vector.broadcast %div3A : f32 to vector<512xf32>
    %div3A_63 = arith.divf %div3A_62, %add3A_61 : vector<512xf32>
    %add3A_64 = arith.constant 9.99999993E-9 : f32
    %add3A_65 = vector.broadcast %add3A_64 : f32 to vector<512xf32>
    %add3A_66 = arith.addf %reduce_min3A_34, %add3A_65 : vector<512xf32>
    %div3A_67 = arith.constant 1.000000e+00 : f32
    %div3A_68 = vector.broadcast %div3A_67 : f32 to vector<512xf32>
    %div3A_69 = arith.divf %div3A_68, %add3A_66 : vector<512xf32>
    %add3A_70 = arith.constant 9.99999993E-9 : f32
    %add3A_71 = vector.broadcast %add3A_70 : f32 to vector<512xf32>
    %add3A_72 = arith.addf %reduce_min3A_50, %add3A_71 : vector<512xf32>
    %div3A_73 = arith.constant 1.000000e+00 : f32
    %div3A_74 = vector.broadcast %div3A_73 : f32 to vector<512xf32>
    %div3A_75 = arith.divf %div3A_74, %add3A_72 : vector<512xf32>
    %add3A_76 = arith.addf %div3A_63, %div3A_69 : vector<512xf32>
    %add3A_77 = arith.addf %add3A_76, %div3A_75 : vector<512xf32>
    %mul3A_78 = arith.constant 512 : i32
    %mul3A_79 = arith.muli %arg0, %mul3A_78 : i32
    %add3A_80 = vector.broadcast %mul3A_79 : i32 to vector<512xi32>
    %add3A_81 = arith.addi %reduce_min3A_26, %add3A_80 : vector<512xi32>
    %swap3A = arith.constant 0 : index
    %swap3A_82 = arith.constant 0 : index
    %swap3A_83 = arith.constant 0 : index
    %swap3A_84 = vector.load %arg4[%swap3A, %swap3A_82, %swap3A_83] : memref<1x1x512xi32, #tpu.memory_space<vmem>>, vector<1x1x512xi32>
    %swap3A_85 = vector.shape_cast %swap3A_84 : vector<1x1x512xi32> to vector<512xi32>
    %swap3A_86 = vector.shape_cast %add3A_81 : vector<512xi32> to vector<1x1x512xi32>
    tpu.vector_store %arg4[%swap3A, %swap3A_82, %swap3A_83], %swap3A_86 {strides = array<i32>} : memref<1x1x512xi32, #tpu.memory_space<vmem>>, vector<1x1x512xi32>,
    %div3A_87 = arith.divf %div3A_63, %add3A_77 : vector<512xf32>
    %swap3A_88 = arith.constant 0 : index
    %swap3A_89 = arith.constant 0 : index
    %swap3A_90 = arith.constant 0 : index
    %swap3A_91 = vector.load %arg7[%swap3A_88, %swap3A_89, %swap3A_90] : memref<1x1x512xf32, #tpu.memory_space<vmem>>, vector<1x1x512xf32>
    %swap3A_92 = vector.shape_cast %swap3A_91 : vector<1x1x512xf32> to vector<512xf32>
    %swap3A_93 = vector.shape_cast %div3A_87 : vector<512xf32> to vector<1x1x512xf32>
    tpu.vector_store %arg7[%swap3A_88, %swap3A_89, %swap3A_90], %swap3A_93 {strides = array<i32>} : memref<1x1x512xf32, #tpu.memory_space<vmem>>, vector<1x1x512xf32>,
    %add3A_94 = vector.broadcast %mul3A_79 : i32 to vector<512xi32>
    %add3A_95 = arith.addi %reduce_min3A_42, %add3A_94 : vector<512xi32>
    %swap3A_96 = arith.constant 0 : index
    %swap3A_97 = arith.constant 0 : index
    %swap3A_98 = arith.constant 0 : index
    %swap3A_99 = vector.load %arg5[%swap3A_96, %swap3A_97, %swap3A_98] : memref<1x1x512xi32, #tpu.memory_space<vmem>>, vector<1x1x512xi32>
    %swap3A_100 = vector.shape_cast %swap3A_99 : vector<1x1x512xi32> to vector<512xi32>
    %swap3A_101 = vector.shape_cast %add3A_95 : vector<512xi32> to vector<1x1x512xi32>
    tpu.vector_store %arg5[%swap3A_96, %swap3A_97, %swap3A_98], %swap3A_101 {strides = array<i32>} : memref<1x1x512xi32, #tpu.memory_space<vmem>>, vector<1x1x512xi32>,
    %div3A_102 = arith.divf %div3A_69, %add3A_77 : vector<512xf32>
    %swap3A_103 = arith.constant 0 : index
    %swap3A_104 = arith.constant 0 : index
    %swap3A_105 = arith.constant 0 : index
    %swap3A_106 = vector.load %arg8[%swap3A_103, %swap3A_104, %swap3A_105] : memref<1x1x512xf32, #tpu.memory_space<vmem>>, vector<1x1x512xf32>
    %swap3A_107 = vector.shape_cast %swap3A_106 : vector<1x1x512xf32> to vector<512xf32>
    %swap3A_108 = vector.shape_cast %div3A_102 : vector<512xf32> to vector<1x1x512xf32>
    tpu.vector_store %arg8[%swap3A_103, %swap3A_104, %swap3A_105], %swap3A_108 {strides = array<i32>} : memref<1x1x512xf32, #tpu.memory_space<vmem>>, vector<1x1x512xf32>,
    %add3A_109 = vector.broadcast %mul3A_79 : i32 to vector<512xi32>
    %add3A_110 = arith.addi %reduce_min3A_58, %add3A_109 : vector<512xi32>
    %swap3A_111 = arith.constant 0 : index
    %swap3A_112 = arith.constant 0 : index
    %swap3A_113 = arith.constant 0 : index
    %swap3A_114 = vector.load %arg6[%swap3A_111, %swap3A_112, %swap3A_113] : memref<1x1x512xi32, #tpu.memory_space<vmem>>, vector<1x1x512xi32>
    %swap3A_115 = vector.shape_cast %swap3A_114 : vector<1x1x512xi32> to vector<512xi32>
    %swap3A_116 = vector.shape_cast %add3A_110 : vector<512xi32> to vector<1x1x512xi32>
    tpu.vector_store %arg6[%swap3A_111, %swap3A_112, %swap3A_113], %swap3A_116 {strides = array<i32>} : memref<1x1x512xi32, #tpu.memory_space<vmem>>, vector<1x1x512xi32>,
    %div3A_117 = arith.divf %div3A_75, %add3A_77 : vector<512xf32>
    %swap3A_118 = arith.constant 0 : index
    %swap3A_119 = arith.constant 0 : index
    %swap3A_120 = arith.constant 0 : index
    %swap3A_121 = vector.load %arg9[%swap3A_118, %swap3A_119, %swap3A_120] : memref<1x1x512xf32, #tpu.memory_space<vmem>>, vector<1x1x512xf32>
    %swap3A_122 = vector.shape_cast %swap3A_121 : vector<1x1x512xf32> to vector<512xf32>
    %swap3A_123 = vector.shape_cast %div3A_117 : vector<512xf32> to vector<1x1x512xf32>
    tpu.vector_store %arg9[%swap3A_118, %swap3A_119, %swap3A_120], %swap3A_123 {strides = array<i32>} : memref<1x1x512xf32, #tpu.memory_space<vmem>>, vector<1x1x512xf32>,
    return
  }
  func.func @transform_0(%arg0: i32, %arg1: i32) -> (i32, i32, i32) {
    %c0_i32 = arith.constant 0 : i32
    %c0_i32_0 = arith.constant 0 : i32
    return %arg0, %c0_i32, %arg1 : i32, i32, i32
  }
  func.func @transform_1(%arg0: i32, %arg1: i32) -> (i32, i32, i32) {
    %c0_i32 = arith.constant 0 : i32
    %c0_i32_0 = arith.constant 0 : i32
    %c0_i32_1 = arith.constant 0 : i32
    return %arg0, %c0_i32, %c0_i32_0 : i32, i32, i32
  }
  func.func @transform_2(%arg0: i32, %arg1: i32) -> (i32, i32, i32) {
    %c0_i32 = arith.constant 0 : i32
    %c0_i32_0 = arith.constant 0 : i32
    return %arg0, %c0_i32, %arg1 : i32, i32, i32
  }
  func.func @transform_3(%arg0: i32, %arg1: i32) -> (i32, i32, i32) {
    %c0_i32 = arith.constant 0 : i32
    %c0_i32_0 = arith.constant 0 : i32
    return %arg0, %c0_i32, %arg1 : i32, i32, i32
  }
  func.func @transform_4(%arg0: i32, %arg1: i32) -> (i32, i32, i32) {
    %c0_i32 = arith.constant 0 : i32
    %c0_i32_0 = arith.constant 0 : i32
    return %arg0, %c0_i32, %arg1 : i32, i32, i32
  }
  func.func @transform_5(%arg0: i32, %arg1: i32) -> (i32, i32, i32) {
    %c0_i32 = arith.constant 0 : i32
    %c0_i32_0 = arith.constant 0 : i32
    return %arg0, %c0_i32, %arg1 : i32, i32, i32
  }
  func.func @transform_6(%arg0: i32, %arg1: i32) -> (i32, i32, i32) {
    %c0_i32 = arith.constant 0 : i32
    %c0_i32_0 = arith.constant 0 : i32
    return %arg0, %c0_i32, %arg1 : i32, i32, i32
  }
  func.func @transform_7(%arg0: i32, %arg1: i32) -> (i32, i32, i32) {
    %c0_i32 = arith.constant 0 : i32
    %c0_i32_0 = arith.constant 0 : i32
    return %arg0, %c0_i32, %arg1 : i32, i32, i32
  }
}

module attributes {stable_mosaic.version = 14 : i64} {
  func.func @_mlp1_body(%arg0: i32, %arg1: memref<4096x1024xf32, #tpu.memory_space<vmem>>, %arg2: memref<128x4096xf32, #tpu.memory_space<vmem>>, %arg3: memref<128x1xf32, #tpu.memory_space<vmem>>, %arg4: memref<128x1xf32, #tpu.memory_space<vmem>>, %arg5: memref<128x1xf32, #tpu.memory_space<vmem>>, %arg6: memref<128x1024xf32, #tpu.memory_space<vmem>>) attributes {dimension_semantics = [#tpu.dimension_semantics<arbitrary>], iteration_bounds = array<i64: 8>, scalar_prefetch = 0 : i64, scratch_operands = 0 : i64, tpu.core_type = #tpu.core_type<tc>, window_params = [{pipeline_mode = #tpu.pipeline_mode<synchronous>, transform_indices = @transform_0, window_bounds = array<i64: 4096, 1024>}, {transform_indices = @transform_1, window_bounds = array<i64: 128, 4096>}, {transform_indices = @transform_2, window_bounds = array<i64: 128, 1>}, {transform_indices = @transform_3, window_bounds = array<i64: 128, 1>}, {transform_indices = @transform_4, window_bounds = array<i64: 128, 1>}, {transform_indices = @transform_5, window_bounds = array<i64: 128, 1024>}]} {
    %get3A = arith.constant 0 : index
    %get3A_0 = arith.constant 0 : index
    %get3A_1 = vector.load %arg2[%get3A, %get3A_0] : memref<128x4096xf32, #tpu.memory_space<vmem>>, vector<128x4096xf32>
    %get3A_2 = arith.constant 0 : index
    %get3A_3 = arith.constant 0 : index
    %get3A_4 = vector.load %arg1[%get3A_2, %get3A_3] : memref<4096x1024xf32, #tpu.memory_space<vmem>>, vector<4096x1024xf32>
    %dot_general3A = arith.constant dense<0.000000e+00> : vector<128x1024xf32>
    %dot_general3A_5 = tpu.matmul %get3A_1, %get3A_4, %dot_general3A {dimension_numbers = #tpu.dot_dimension_numbers<[1], [0], [0], [1], [0, 0, 1, 1], [], []>, transpose_lhs_hint = false} : vector<128x4096xf32>, vector<4096x1024xf32>, vector<128x1024xf32> -> vector<128x1024xf32>
    %get3A_6 = arith.constant 0 : index
    %get3A_7 = arith.constant 0 : index
    %get3A_8 = vector.load %arg3[%get3A_6, %get3A_7] : memref<128x1xf32, #tpu.memory_space<vmem>>, vector<128x1xf32>
    %add3A = vector.broadcast %get3A_8 : vector<128x1xf32> to vector<128x1024xf32>
    %add3A_9 = arith.addf %dot_general3A_5, %add3A : vector<128x1024xf32>
    %reduce_sum3A = arith.constant dense<0.000000e+00> : vector<128xf32>
    %reduce_sum3A_10 = vector.multi_reduction <add>, %add3A_9, %reduce_sum3A [1] : vector<128x1024xf32> to vector<128xf32>
    %broadcast_in_dim3A = vector.shape_cast %reduce_sum3A_10 : vector<128xf32> to vector<128x1xf32>
    %div3A = arith.constant 1.024000e+03 : f32
    %div3A_11 = vector.broadcast %div3A : f32 to vector<128x1xf32>
    %div3A_12 = arith.divf %broadcast_in_dim3A, %div3A_11 : vector<128x1xf32>
    %sub3A = vector.broadcast %div3A_12 : vector<128x1xf32> to vector<128x1024xf32>
    %sub3A_13 = arith.subf %add3A_9, %sub3A : vector<128x1024xf32>
    %mul3A = arith.mulf %sub3A_13, %sub3A_13 : vector<128x1024xf32>
    %reduce_sum3A_14 = arith.constant dense<0.000000e+00> : vector<128xf32>
    %reduce_sum3A_15 = vector.multi_reduction <add>, %mul3A, %reduce_sum3A_14 [1] : vector<128x1024xf32> to vector<128xf32>
    %broadcast_in_dim3A_16 = vector.shape_cast %reduce_sum3A_15 : vector<128xf32> to vector<128x1xf32>
    %div3A_17 = arith.constant 1.024000e+03 : f32
    %div3A_18 = vector.broadcast %div3A_17 : f32 to vector<128x1xf32>
    %div3A_19 = arith.divf %broadcast_in_dim3A_16, %div3A_18 : vector<128x1xf32>
    %add3A_20 = arith.constant 9.99999974E-6 : f32
    %add3A_21 = vector.broadcast %add3A_20 : f32 to vector<128x1xf32>
    %add3A_22 = arith.addf %div3A_19, %add3A_21 : vector<128x1xf32>
    %rsqrt3A = math.rsqrt %add3A_22 : vector<128x1xf32>
    %mul3A_23 = vector.broadcast %rsqrt3A : vector<128x1xf32> to vector<128x1024xf32>
    %mul3A_24 = arith.mulf %sub3A_13, %mul3A_23 : vector<128x1024xf32>
    %get3A_25 = arith.constant 0 : index
    %get3A_26 = arith.constant 0 : index
    %get3A_27 = vector.load %arg4[%get3A_25, %get3A_26] : memref<128x1xf32, #tpu.memory_space<vmem>>, vector<128x1xf32>
    %mul3A_28 = vector.broadcast %get3A_27 : vector<128x1xf32> to vector<128x1024xf32>
    %mul3A_29 = arith.mulf %mul3A_28, %mul3A_24 : vector<128x1024xf32>
    %get3A_30 = arith.constant 0 : index
    %get3A_31 = arith.constant 0 : index
    %get3A_32 = vector.load %arg5[%get3A_30, %get3A_31] : memref<128x1xf32, #tpu.memory_space<vmem>>, vector<128x1xf32>
    %add3A_33 = vector.broadcast %get3A_32 : vector<128x1xf32> to vector<128x1024xf32>
    %add3A_34 = arith.addf %mul3A_29, %add3A_33 : vector<128x1024xf32>
    %max3A = arith.constant 0.000000e+00 : f32
    %max3A_35 = vector.broadcast %max3A : f32 to vector<128x1024xf32>
    %max3A_36 = arith.maximumf %add3A_34, %max3A_35 : vector<128x1024xf32>
    %swap3A = arith.constant 0 : index
    %swap3A_37 = arith.constant 0 : index
    %swap3A_38 = vector.load %arg6[%swap3A, %swap3A_37] : memref<128x1024xf32, #tpu.memory_space<vmem>>, vector<128x1024xf32>
    tpu.vector_store %arg6[%swap3A, %swap3A_37], %max3A_36 {strides = array<i32>} : memref<128x1024xf32, #tpu.memory_space<vmem>>, vector<128x1024xf32>,
    return
  }
  func.func @transform_0(%arg0: i32) -> (i32, i32) {
    %c0_i32 = arith.constant 0 : i32
    %c0_i32_0 = arith.constant 0 : i32
    %c0_i32_1 = arith.constant 0 : i32
    return %c0_i32, %c0_i32_0 : i32, i32
  }
  func.func @transform_1(%arg0: i32) -> (i32, i32) {
    %c0_i32 = arith.constant 0 : i32
    %c0_i32_0 = arith.constant 0 : i32
    return %arg0, %c0_i32 : i32, i32
  }
  func.func @transform_2(%arg0: i32) -> (i32, i32) {
    %c0_i32 = arith.constant 0 : i32
    %c0_i32_0 = arith.constant 0 : i32
    return %arg0, %c0_i32 : i32, i32
  }
  func.func @transform_3(%arg0: i32) -> (i32, i32) {
    %c0_i32 = arith.constant 0 : i32
    %c0_i32_0 = arith.constant 0 : i32
    return %arg0, %c0_i32 : i32, i32
  }
  func.func @transform_4(%arg0: i32) -> (i32, i32) {
    %c0_i32 = arith.constant 0 : i32
    %c0_i32_0 = arith.constant 0 : i32
    return %arg0, %c0_i32 : i32, i32
  }
  func.func @transform_5(%arg0: i32) -> (i32, i32) {
    %c0_i32 = arith.constant 0 : i32
    %c0_i32_0 = arith.constant 0 : i32
    return %arg0, %c0_i32 : i32, i32
  }
}

module attributes {stable_mosaic.version = 14 : i64} {
  func.func @_mlp2_body(%arg0: memref<1024x1024xf32, #tpu.memory_space<vmem>>, %arg1: memref<512x1024xf32, #tpu.memory_space<vmem>>, %arg2: memref<512x1xf32, #tpu.memory_space<vmem>>, %arg3: memref<512x1xf32, #tpu.memory_space<vmem>>, %arg4: memref<512x1xf32, #tpu.memory_space<vmem>>, %arg5: memref<512x1024xf32, #tpu.memory_space<vmem>>) attributes {dimension_semantics = [], scalar_prefetch = 0 : i64, scratch_operands = 0 : i64, tpu.core_type = #tpu.core_type<tc>} {
    %get3A = arith.constant 0 : index
    %get3A_0 = arith.constant 0 : index
    %get3A_1 = vector.load %arg1[%get3A, %get3A_0] : memref<512x1024xf32, #tpu.memory_space<vmem>>, vector<512x1024xf32>
    %get3A_2 = arith.constant 0 : index
    %get3A_3 = arith.constant 0 : index
    %get3A_4 = vector.load %arg0[%get3A_2, %get3A_3] : memref<1024x1024xf32, #tpu.memory_space<vmem>>, vector<1024x1024xf32>
    %dot_general3A = arith.constant dense<0.000000e+00> : vector<512x1024xf32>
    %dot_general3A_5 = tpu.matmul %get3A_1, %get3A_4, %dot_general3A {dimension_numbers = #tpu.dot_dimension_numbers<[1], [0], [0], [1], [0, 0, 1, 1], [], []>, transpose_lhs_hint = false} : vector<512x1024xf32>, vector<1024x1024xf32>, vector<512x1024xf32> -> vector<512x1024xf32>
    %get3A_6 = arith.constant 0 : index
    %get3A_7 = arith.constant 0 : index
    %get3A_8 = vector.load %arg2[%get3A_6, %get3A_7] : memref<512x1xf32, #tpu.memory_space<vmem>>, vector<512x1xf32>
    %add3A = vector.broadcast %get3A_8 : vector<512x1xf32> to vector<512x1024xf32>
    %add3A_9 = arith.addf %dot_general3A_5, %add3A : vector<512x1024xf32>
    %reduce_sum3A = arith.constant dense<0.000000e+00> : vector<512xf32>
    %reduce_sum3A_10 = vector.multi_reduction <add>, %add3A_9, %reduce_sum3A [1] : vector<512x1024xf32> to vector<512xf32>
    %broadcast_in_dim3A = vector.shape_cast %reduce_sum3A_10 : vector<512xf32> to vector<512x1xf32>
    %div3A = arith.constant 1.024000e+03 : f32
    %div3A_11 = vector.broadcast %div3A : f32 to vector<512x1xf32>
    %div3A_12 = arith.divf %broadcast_in_dim3A, %div3A_11 : vector<512x1xf32>
    %sub3A = vector.broadcast %div3A_12 : vector<512x1xf32> to vector<512x1024xf32>
    %sub3A_13 = arith.subf %add3A_9, %sub3A : vector<512x1024xf32>
    %mul3A = arith.mulf %sub3A_13, %sub3A_13 : vector<512x1024xf32>
    %reduce_sum3A_14 = arith.constant dense<0.000000e+00> : vector<512xf32>
    %reduce_sum3A_15 = vector.multi_reduction <add>, %mul3A, %reduce_sum3A_14 [1] : vector<512x1024xf32> to vector<512xf32>
    %broadcast_in_dim3A_16 = vector.shape_cast %reduce_sum3A_15 : vector<512xf32> to vector<512x1xf32>
    %div3A_17 = arith.constant 1.024000e+03 : f32
    %div3A_18 = vector.broadcast %div3A_17 : f32 to vector<512x1xf32>
    %div3A_19 = arith.divf %broadcast_in_dim3A_16, %div3A_18 : vector<512x1xf32>
    %add3A_20 = arith.constant 9.99999974E-6 : f32
    %add3A_21 = vector.broadcast %add3A_20 : f32 to vector<512x1xf32>
    %add3A_22 = arith.addf %div3A_19, %add3A_21 : vector<512x1xf32>
    %rsqrt3A = math.rsqrt %add3A_22 : vector<512x1xf32>
    %mul3A_23 = vector.broadcast %rsqrt3A : vector<512x1xf32> to vector<512x1024xf32>
    %mul3A_24 = arith.mulf %sub3A_13, %mul3A_23 : vector<512x1024xf32>
    %get3A_25 = arith.constant 0 : index
    %get3A_26 = arith.constant 0 : index
    %get3A_27 = vector.load %arg3[%get3A_25, %get3A_26] : memref<512x1xf32, #tpu.memory_space<vmem>>, vector<512x1xf32>
    %mul3A_28 = vector.broadcast %get3A_27 : vector<512x1xf32> to vector<512x1024xf32>
    %mul3A_29 = arith.mulf %mul3A_28, %mul3A_24 : vector<512x1024xf32>
    %get3A_30 = arith.constant 0 : index
    %get3A_31 = arith.constant 0 : index
    %get3A_32 = vector.load %arg4[%get3A_30, %get3A_31] : memref<512x1xf32, #tpu.memory_space<vmem>>, vector<512x1xf32>
    %add3A_33 = vector.broadcast %get3A_32 : vector<512x1xf32> to vector<512x1024xf32>
    %add3A_34 = arith.addf %mul3A_29, %add3A_33 : vector<512x1024xf32>
    %max3A = arith.constant 0.000000e+00 : f32
    %max3A_35 = vector.broadcast %max3A : f32 to vector<512x1024xf32>
    %max3A_36 = arith.maximumf %add3A_34, %max3A_35 : vector<512x1024xf32>
    %swap3A = arith.constant 0 : index
    %swap3A_37 = arith.constant 0 : index
    %swap3A_38 = vector.load %arg5[%swap3A, %swap3A_37] : memref<512x1024xf32, #tpu.memory_space<vmem>>, vector<512x1024xf32>
    tpu.vector_store %arg5[%swap3A, %swap3A_37], %max3A_36 {strides = array<i32>} : memref<512x1024xf32, #tpu.memory_space<vmem>>, vector<512x1024xf32>,
    return
  }
}

</mosaic_0001>

<sc_bundles>
// kernel: kernel.6.cloned.1.call-start
scs
__scs_entry_jumppad:
0x0: {  	(pc) =	sbr.rel $0x88, $3  }
0x1: {  	(tag) =	ssettag $0x0;
	lr =	simm.s32 $0x1  }
0x2: {  	[smem:$0x3F95] =	sst lr;
	_ =	strace $0xD0000000  }
0x3: {  	_ = 	snop  }
0x4: {  	_ = 	snop  }
0x5: {  	_ = 	snop  }
0x6: {  	_ = 	snop  }
0x7: {  	_ = 	snop  }
__scs_overlays_trampoline_lowered:
0x8: {  	[smem:$0x3FA4] =	sst s0  }
0x9: {  	[smem:$0x3FA5] =	sst s1  }
0xa: {  	[smem:$0x3FA6] =	sst s2  }
0xb: {  	[smem:$0x3FA7] =	sst s3  }
0xc: {  	[smem:$0x3FA8] =	sst s4  }
0xd: {  	[smem:$0x3FA9] =	sst s5  }
0xe: {  	[smem:$0x3FAA] =	sst s6  }
0xf: {  	[smem:$0x3FAB] =	sst s7  }
0x10: {  	[smem:$0x3FAC] =	sst s8  }
0x11: {  	[smem:$0x3FAD] =	sst s9;
	s0 =	simm.s32 @!p0 $0x0  }
0x12: {  	s1 =	sld [smem:$0x3F93];
	s0 =	simm.s32 @p0 $0x1  }
0x13: {  	[smem:$0x3FAE] =	sst s0;
	s0 =	simm.s32 @!p1 $0x0  }
0x14: {  	s2 =	sld [smem:$0x3F92];
	s0 =	simm.s32 @p1 $0x1  }
0x15: {  	[smem:$0x3FAF] =	sst s0;
	s0 =	simm.s32 @!p2 $0x0  }
0x16: {  	s3 =	sld [smem:$0x3FDB];
	s0 =	simm.s32 @p2 $0x1  }
0x17: {  	s4 =	simm.s32 $0x1BF5;
	[smem:$0x3FB1] =	sst s0  }
0x18: {  	s0 =	sld [smem:$0x3F94];
	_ =	swait.ge [sflag:s4], $0x0  }
0x19: {  	s7 =	sld [smem:$0x3F95]  }
0x1a: {  	s8 =	sadd.s32 $0xFFFFE003, lr  }
0x1b: {  	s9 =	sadd.s32 $0xFFFFFEF7, lr;
	s5 =	simm.s32 $0xFFFFFFFF;
	p2 =	slt.u32 s8, $0xFFFFF086  }
0x1c: {  	p1 =	slt.u32 s9, $0xF7A;
	s5 =	simm.s32 @!p2 $0x0  }
0x1d: {  	s5 =	simm.s32 @p1 $0x1;
	p0 =	seq.s32 s7, s2  }
0x1e: {  	s7 =	smul.u32 @!p0 $0xF7A, s2;
	p2 =	seq.s32 @!p0 s5, $0x0  }
0x1f: {  	s9 =	smul.u32 $0xF7A, s1;
	s8 =	simm.s32 @!p0 $0x1BF5;
	p2 =	por !p2, p0  }
0x20: {  	[sflag:s8] =	ssyncset.s32 @!p0 $0xFFFFF086;
	s6 =	sadd.s32 @!p0 s3, s7;
	s7 =	simm.s32 @!p0 $0x108  }
0x21: {  	s3 =	sadd.s32 s3, s9;
	s6 =	sadd.s32 @!p0 $0x88, s6;
	s7 =	simm.s32 @p2 $0x1082  }
0x22: {  	[simem:s7], [sflag:s8] =	dma.local @!p0 [hbm:s6], $0xF7A  }
0x23: {  	s9 =	sor.u32 $0xD0000000, s2;
	s6 =	simm.s32 $0x108;
	_ =	swait.ge @!p0 [sflag:s8], $0x0  }
0x24: {  	s3 =	sadd.s32 $0x88, s3;
	s6 =	simm.s32 @!p1 $0x1082;
	[sflag:s4] =	ssyncset.s32 $0xFFFFF086  }
0x25: {  	[simem:s6], [sflag:s4] =	dma.local [hbm:s3], $0xF7A  }
0x26: {  	[smem:$0x3F95] =	sst s1;
	(tag) =	ssettag s2;
	_ =	strace s9  }
0x27: {  	s1 =	sld [smem:$0x3FA5]  }
0x28: {  	s2 =	sld [smem:$0x3FA6]  }
0x29: {  	s4 =	sld [smem:$0x3FA8]  }
0x2a: {  	p0 =	seq.s32 s5, $0x0;
	s5 =	sld [smem:$0x3FA9]  }
0x2b: {  	s6 =	sld [smem:$0x3FAA]  }
0x2c: {  	s7 =	sld [smem:$0x3FAB]  }
0x2d: {  	s3 =	simm.s32 $0x108;
	s8 =	sld [smem:$0x3FAC]  }
0x2e: {  	s3 =	simm.s32 @!p0 $0x1082;
	s9 =	sld [smem:$0x3FAD]  }
0x2f: {  	lr =	sadd.s32 s0, s3;
	s0 =	sld [smem:$0x3FA4]  }
0x30: {  	s3 =	sld [smem:$0x3FA7]  }
0x31: {  	[smem:$0x3FB0] =	sst s10  }
0x32: {  	s10 =	sld [smem:$0x3FAE];
	_ =	sdelay $0x3  }
0x33: {  	p0 =	seq.s32 s10, $0x1;
	s10 =	sld [smem:$0x3FB0];
	_ =	sdelay $0x3  }
0x34: {  	[smem:$0x3FB0] =	sst s10  }
0x35: {  	s10 =	sld [smem:$0x3FAF];
	_ =	sdelay $0x3  }
0x36: {  	p1 =	seq.s32 s10, $0x1;
	s10 =	sld [smem:$0x3FB0];
	_ =	sdelay $0x3  }
0x37: {  	[smem:$0x3FB0] =	sst s10  }
0x38: {  	s10 =	sld [smem:$0x3FB1]  }
0x39: {  	_ = 	snop;
	(pc) =	sbr.ind lr, $3  }
0x3a: {  	_ = 	snop  }
0x3b: {  	_ = 	snop  }
0x3c: {  	p2 =	seq.s32 s10, $0x1;
	s10 =	sld [smem:$0x3FB0]  }
0x3d: {  	_ =	shalt  }
0x3e: {  	_ =	shalt  }
0x3f: {  	_ =	shalt  }
0x40: {  	_ =	shalt  }
0x41: {  	_ =	shalt  }
0x42: {  	_ =	shalt  }
0x43: {  	_ =	shalt  }
0x44: {  	_ =	shalt  }
0x45: {  	_ =	shalt  }
0x46: {  	_ =	shalt  }
0x47: {  	_ =	shalt  }
0x48: {  	_ =	shalt  }
0x49: {  	_ =	shalt  }
0x4a: {  	_ =	shalt  }
0x4b: {  	_ =	shalt  }
0x4c: {  	_ =	shalt  }
0x4d: {  	_ =	shalt  }
0x4e: {  	_ =	shalt  }
0x4f: {  	_ =	shalt  }
0x50: {  	_ =	shalt  }
0x51: {  	_ =	shalt  }
0x52: {  	_ =	shalt  }
0x53: {  	_ =	shalt  }
0x54: {  	_ =	shalt  }
0x55: {  	_ =	shalt  }
0x56: {  	_ =	shalt  }
0x57: {  	_ =	shalt  }
0x58: {  	_ =	shalt  }
0x59: {  	_ =	shalt  }
0x5a: {  	_ =	shalt  }
0x5b: {  	_ =	shalt  }
0x5c: {  	_ =	shalt  }
0x5d: {  	_ =	shalt  }
0x5e: {  	_ =	shalt  }
0x5f: {  	_ =	shalt  }
0x60: {  	_ =	shalt  }
0x61: {  	_ =	shalt  }
0x62: {  	_ =	shalt  }
0x63: {  	_ =	shalt  }
0x64: {  	_ =	shalt  }
0x65: {  	_ =	shalt  }
0x66: {  	_ =	shalt  }
0x67: {  	_ =	shalt  }
0x68: {  	_ =	shalt  }
0x69: {  	_ =	shalt  }
0x6a: {  	_ =	shalt  }
0x6b: {  	_ =	shalt  }
0x6c: {  	_ =	shalt  }
0x6d: {  	_ =	shalt  }
0x6e: {  	_ =	shalt  }
0x6f: {  	_ =	shalt  }
0x70: {  	_ =	shalt  }
0x71: {  	_ =	shalt  }
0x72: {  	_ =	shalt  }
0x73: {  	_ =	shalt  }
0x74: {  	_ =	shalt  }
0x75: {  	_ =	shalt  }
0x76: {  	_ =	shalt  }
0x77: {  	_ =	shalt  }
0x78: {  	_ =	shalt  }
0x79: {  	_ =	shalt  }
0x7a: {  	_ =	shalt  }
0x7b: {  	_ =	shalt  }
0x7c: {  	_ =	shalt  }
0x7d: {  	_ =	shalt  }
0x7e: {  	_ =	shalt  }
0x7f: {  	_ =	shalt  }
0x80: {  	_ =	shalt  }
0x81: {  	_ =	shalt  }
0x82: {  	_ =	shalt  }
0x83: {  	_ =	shalt  }
0x84: {  	_ =	shalt  }
0x85: {  	_ =	shalt  }
0x86: {  	_ =	shalt  }
0x87: {  	_ =	shalt  }
.Lfunc_end0:
.L_simem_size_0:
called_computation_lowered:
.L_overlay_start_0:
0x88: {  	s2 =	sld [smem:$0x3FD9]  }
0x89: {  	s3 =	sld [smem:$0x3FFE];
	_ =	sdelay $0x1  }
0x8a: {  	s1 =	srdreg.scid  }
0x8b: {  	s0 =	sand.u32 $0x1, s1  }
0x8c: {  	s17 =	sshll.u32 s0, $0xA;
	s2 =	sadd.s32 s3, s2  }
0x8d: {  	s2 =	sadd.s32 s2, s17  }
0x8e: {  	[smem:$0x3FBC] =	sst s2  }
0x8f: {  	_ = 	snop  }
0x90: {  	s2 =	sld [smem:$0x3FD0];
	(tm) =	ssettm $0x1  }
0x91: {  	s18 =	sld [smem:$0x3FFB];
	_ =	sdelay $0x3  }
0x92: {  	_ =	strace s18  }
0x93: {  	s3 =	sld [smem:$0x3FFC];
	_ =	sdelay $0x3  }
0x94: {  	_ =	strace s3  }
0x95: {  	s3 =	sld [smem:$0x3FFD];
	_ =	sdelay $0x3  }
0x96: {  	_ =	strace s3  }
0x97: {  	_ =	strace $0x8FFFFFFF  }
0x98: {  	s19 =	sld [smem:$0x3FDB];
	_ =	sdelay $0x1  }
0x99: {  	s4 =	simm.s32 $_scs_section_size  }
0x9a: {  	s5 =	simm.s32 $_size__tile_overlayer_lowered;
	s6 =	simm.s32 $_tile_overlayer_lowered  }
0x9b: {  	s22 =	simm.s32 $0x1BFF;
	s21 =	sshll.u32 s6, $0x1;
	s3 =	sadd.s32 s4, s19  }
0x9c: {  	s7 =	simm.s32 $0x0;
	s20 =	sshll.u32 s5, $0x1;
	s5 =	sadd.s32 s21, s3  }
0x9d: {  	[timem:s7], [sflag:s22] =	dma.local [hbm:s5], s20  }
0x9e: {  	_ =	swait.ge [sflag:s22], s20  }
0x9f: {  	s4 =	ssub.s32 $0x0, s20;
	[sflag:s22] =	ssyncset.done $0x0  }
0xa0: {  	[sflag:s22] =	ssyncadd.s32 s4;
	_ =	sdelay $0x1  }
0xa1: {  	s23 =	simm.s32 $0x1B8B  }
0xa2: {  	_ =	swait.ge [sflag:s23], $0x1  }
0xa3: {  	[sflag:s23] =	ssyncset.done $0x0  }
0xa4: {  	s25 =	simm.s32 $0x1B8E;
	s24 =	sld [smem:$0x3FFE];
	[sflag:s23] =	ssyncadd.s32 $0xFFFFFFFF  }
0xa5: {  	s26 =	simm.s32 $execute0_lowered;
	[smem:$0x3FD2] =	sst s25  }
0xa6: {  	s5 =	sshll.u32 s26, $0x1;
	_ =	strace $0x80000046;
	[dreg:$0x1] =	wrdreg $0xFFFFFFFF  }
0xa7: {  	s28 =	simm.s32 $_size_execute0_lowered;
	s3 =	sadd.s32 s3, s5;
	[dreg:$0x0] =	wrdreg $0x0  }
0xa8: {  	s5 =	sshll.u32 s28, $0x1;
	[dreg:$0x2] =	wrdreg s3  }
0xa9: {  	[dreg:$0x3] =	wrdreg s5  }
0xaa: {  	[dreg:$0x4] =	wrdreg $0xC0  }
0xab: {  	_ =	task [dreg:s7], $0x5FFFF  }
0xac: {  	[dreg:$0x1] =	wrdreg $0xFFFFFFFF  }
0xad: {  	[dreg:$0x0] =	wrdreg $0x60  }
0xae: {  	[dreg:$0x2] =	wrdreg s2  }
0xaf: {  	[dreg:$0x3] =	wrdreg s24  }
0xb0: {  	[dreg:$0x4] =	wrdreg $0x9  }
0xb1: {  	_ =	task.clear_ibuf [dreg:s7], $0x5FFFF;
	_ =	strace $0x90000046  }
0xb2: {  	s29 =	simm.s32 $0x9;
	_ =	strace $0x80000048  }
0xb3: {  	_ =	swait.ge [sflag:s29], $0x1  }
0xb4: {  	[sflag:s29] =	ssyncadd.s32 $0xFFFFFFFF  }
0xb5: {  	_ =	strace $0x90000048  }
0xb6: {  	_ =	sfence  }
0xb7: {  	s30 =	sld [smem:$0x0];
	_ =	sdelay $0x2  }
0xb8: {  	s31 =	sshll.u32 s1, $0xD;
	s1 =	sshrl.u32 s1, $0x2  }
0xb9: {  	s3 =	sand.u32 $0x4000, s31;
	s1 =	sadd.s32 s1, s30  }
0xba: {  	s0 =	sor.u32 s3, s0;
	s1 =	sshll.u32 s1, $0x11  }
0xbb: {  	s0 =	sor.u32 s1, s0  }
0xbc: {  	s0 =	sadd.s32 $0x8F2B, s0  }
0xbd: {  	[sflag:s0] =	ssyncadd.remote.s32 $0x1  }
0xbe: {  	_ =	sfence.sel $0xFFFF  }
0xbf: {  	[dreg:$0x0] =	wrdreg $0xFFFFFFFF;
	(pc) =	sbr.abs _section_cstart, $3  }
0xc0: {  	[dreg:$0x1] =	wrdreg $0xFFFFFFFF  }
0xc1: {  	_ =	task.clear_ibuf [dreg:s7], $0x2FFFF;
	_ =	strace $0x9FFFFFFF  }
0xc2: {  	(tm) =	ssettm $0x7FFFFFFF  }
0xc3: {  	_ =	shalt  }
tec
execute0_lowered:
.L_overlay_start_1:
0x0: {  	(tag) =	ssettag $0x1  }
0x1: {  	s1 =	rddreg [dreg:$0x0]  }
0x2: {  	s10 =	rddreg [dreg:$0x1]  }
0x3: {  	s0 =	rddreg [dreg:$0x2];
	s2 =	simm.s32 $0x0;
	s6 =	srdreg.scid  }
0x4: {  	s14 =	simm.s32 $0xC180;
	s15 =	simm.s32 $0x80;
	s16 =	simm.s32 $0x10180  }
0x5: {  	s17 =	simm.s32 $0x100;
	s18 =	simm.s32 $0x14180;
	s19 =	simm.s32 $0x180  }
0x6: {  	s20 =	simm.s32 $0x4180;
	s21 =	simm.s32 $0x8180;
	s22 =	simm.s32 $0x1  }
0x7: {  	s23 =	simm.s32 $0x18180;
	s24 =	simm.s32 $0x0;
	[smem:$0x7FF] =	sst s2  }
0x8: {  	s3 =	sadd.s32 $0x2200, s10;
	s4 =	sadd.s32 $0x2A00, s10;
	s5 =	sadd.s32 $0x3200, s10  }
0x9: {  	s11 =	sand.u32 $0x1, s6;
	s7 =	sadd.s32 $0x3A00, s10;
	s8 =	sadd.s32 $0x43A00, s10  }
0xa: {  	s9 =	sadd.s32 $0x83A00, s10;
	s6 =	stileid.u32;
	s12 =	ssub.s32 $0x2, s11  }
0xb: {  	s10 =	sadd.s32 $0xC3A00, s10;
	_ =	strace $0x80000047;
	s13 =	sshrl.u32 s12, $0x1  }
0xc: {  	s31 =	sshll.u32 s6, $0xA;
	s11 =	sshll.u32 s11, $0x9;
	s12 =	ssub.s32 s12, s13  }
0xd: {  	s11 =	sor.u32 s11, s31;
	s13 =	simm.s32 $0x2;
	s12 =	smax.u32 s12, $0x1  }
.LBB2_1:
0xe: {  	s25 =	simm.s32 $0x0  }
.LBB2_2:
0xf: {  	s26 =	sshll.u32 s25, $0x7  }
0x10: {  	s26 =	sadd.s32 s11, s26  }
0x11: {  	s28 =	sshrl.u32 s26, $0x3  }
0x12: {  	s30 =	simm.s32 $0x0;
	s29 =	sadd.s32 s3, s28  }
0x13: {  	[tilespmem:s30], [sflag:$0x2] =	stream.linear.gather [hbm4b:s29+s30], $0x80, $0x38;
	[tilespmem:$0x1C180] =	vst v63  }
0x14: {  	_ =	swait.ge [sflag:s13], $0x80  }
0x15: {  	s26 =	sshll.u32 s26, $0x4;
	[sflag:s13] =	ssyncset.done $0x0  }
0x16: {  	s29 =	sadd.s32 s7, s26;
	[sflag:s13] =	ssyncadd.s32 $0xFFFFFF80  }
0x17: {  	[tilespmem:s14], [sflag:$0x2] =	stream.linear.gather [hbm4b:s29+s30], $0x4000, $0x38;
	[tilespmem:$0x1C180] =	vst v63  }
0x18: {  	_ =	swait.ge [sflag:s13], $0x4000  }
0x19: {  	[sflag:s13] =	ssyncset.done $0x0  }
0x1a: {  	s29 =	sadd.s32 s4, s28;
	[sflag:s13] =	ssyncadd.s32 $0xFFFFC000  }
0x1b: {  	[tilespmem:s15], [sflag:$0x2] =	stream.linear.gather [hbm4b:s29+s30], $0x80, $0x38;
	[tilespmem:$0x1C180] =	vst v63  }
0x1c: {  	_ =	swait.ge [sflag:s13], $0x80  }
0x1d: {  	[sflag:s13] =	ssyncset.done $0x0  }
0x1e: {  	s29 =	sadd.s32 s8, s26;
	[sflag:s13] =	ssyncadd.s32 $0xFFFFFF80  }
0x1f: {  	[tilespmem:s16], [sflag:$0x2] =	stream.linear.gather [hbm4b:s29+s30], $0x4000, $0x38;
	[tilespmem:$0x1C180] =	vst v63  }
0x20: {  	_ =	swait.ge [sflag:s13], $0x4000  }
0x21: {  	[sflag:s13] =	ssyncset.done $0x0  }
0x22: {  	s28 =	sadd.s32 s5, s28;
	[sflag:s13] =	ssyncadd.s32 $0xFFFFC000  }
0x23: {  	[tilespmem:s17], [sflag:$0x2] =	stream.linear.gather [hbm4b:s28+s30], $0x80, $0x38;
	[tilespmem:$0x1C180] =	vst v63  }
0x24: {  	_ =	swait.ge [sflag:s13], $0x80  }
0x25: {  	[sflag:s13] =	ssyncset.done $0x0  }
0x26: {  	s28 =	sadd.s32 s9, s26;
	[sflag:s13] =	ssyncadd.s32 $0xFFFFFF80  }
0x27: {  	[tilespmem:s18], [sflag:$0x2] =	stream.linear.gather [hbm4b:s28+s30], $0x4000, $0x38;
	[tilespmem:$0x1C180] =	vst v63  }
0x28: {  	_ =	swait.ge [sflag:s13], $0x4000  }
0x29: {  	[sflag:s13] =	ssyncset.done $0x0  }
0x2a: {  	[sflag:s13] =	ssyncadd.s32 $0xFFFFC000  }
0x2b: {  	[tilespmem:s19], [sflag:$0x1] =	stream.indirect.gather [hbm4b:s1+s15], $0x80, s30, s15, $0xb8;
	[tilespmem:$0x1C180] =	vst v63  }
0x2c: {  	_ = 	snop  }
0x2d: {  	[tilespmem:s20], [sflag:$0x1] =	stream.indirect.gather [hbm4b:s1+s15], $0x80, s15, s15, $0xb8;
	[tilespmem:$0x1C180] =	vst v63  }
0x2e: {  	_ = 	snop  }
0x2f: {  	[tilespmem:s21], [sflag:$0x1] =	stream.indirect.gather [hbm4b:s1+s15], $0x80, s17, s15, $0xb8;
	[tilespmem:$0x1C180] =	vst v63  }
0x30: {  	_ =	swait.ge [sflag:s22], $0x4000  }
0x31: {  	[sflag:s22] =	ssyncset.done $0x0  }
0x32: {  	[sflag:s22] =	ssyncadd.s32 $0xFFFFC000  }
0x33: {  	_ =	swait.ge [sflag:s22], $0x4000  }
0x34: {  	[sflag:s22] =	ssyncset.done $0x0  }
0x35: {  	[sflag:s22] =	ssyncadd.s32 $0xFFFFC000  }
0x36: {  	_ =	swait.ge [sflag:s22], $0x4000  }
0x37: {  	[sflag:s22] =	ssyncset.done $0x0  }
0x38: {  	s28 =	simm.s32 $0x0;
	[sflag:s22] =	ssyncadd.s32 $0xFFFFC000  }
0x39: {  	v0 =	vld [tilespmem:s28+$0xC180]  }
0x3a: {  	v1 =	vld [tilespmem:s28+$0x1F0]  }
0x3b: {  	v2 =	vld [tilespmem:s28+$0x10180]  }
0x3c: {  	v3 =	vld [tilespmem:s28+$0x41F0]  }
0x3d: {  	v4 =	vld [tilespmem:s28+$0x14180]  }
0x3e: {  	v5 =	vld [tilespmem:s28+$0x81F0]  }
0x3f: {  	v6 =	vld [tilespmem:s28+$0xC180]  }
0x40: {  	v7 =	vld [tilespmem:s28+$0x180]  }
0x41: {  	v8 =	vld [tilespmem:s28+$0x10180]  }
0x42: {  	v9 =	vld [tilespmem:s28+$0x1B0]  }
0x43: {  	v10 =	vld [tilespmem:s28+$0x1C0]  }
0x44: {  	v11 =	vld [tilespmem:s28+$0x41C0]  }
0x45: {  	v12 =	vld [tilespmem:s28+$0x1D0]  }
0x46: {  	v13 =	vld [tilespmem:s28+$0x41D0]  }
0x47: {  	v14 =	vld [tilespmem:s28+$0xC180]  }
0x48: {  	v16 =	vld [tilespmem:s28+$0x10180]  }
0x49: {  	v17 =	vld [tilespmem:s28+$0x41E0]  }
0x4a: {  	v18 =	vld [tilespmem:s28+$0x14180]  }
0x4b: {  	v21 =	vld [tilespmem:s28+$0x81A0];
	v0 =	vmul.f32 v1, v0;
	v1 =	vmul.f32 v3, v2  }
0x4c: {  	v2 =	vld [tilespmem:s28+$0x4180]  }
0x4d: {  	v3 =	vld [tilespmem:s28+$0x190];
	v0 =	vadd.f32 v1, v0;
	v1 =	vmul.f32 v5, v4  }
0x4e: {  	v4 =	vld [tilespmem:s28+$0x4190]  }
0x4f: {  	v5 =	vld [tilespmem:s28+$0x1A0];
	v0 =	vadd.f32 v1, v0  }
0x50: {  	v1 =	vld [tilespmem:s28+$0x41A0]  }
0x51: {  	v7 =	vmul.f32 v7, v6;
	v9 =	vmul.f32 v9, v6;
	[tilespmem:s28+$0x181F0] =	vst v0;
	v0 =	vld [tilespmem:s28+$0x41B0]  }
0x52: {  	v19 =	vld [tilespmem:s28+$0x8180];
	v12 =	vmul.f32 v12, v6;
	v61 =	vmul.f32 v17, v16  }
0x53: {  	v20 =	vld [tilespmem:s28+$0x8190];
	v62 =	vmul.f32 v21, v18;
	v2 =	vmul.f32 v2, v8  }
0x54: {  	v15 =	vld [tilespmem:s28+$0x1E0];
	v3 =	vmul.f32 v3, v6;
	v4 =	vmul.f32 v4, v8  }
0x55: {  	v22 =	vld [tilespmem:s28+$0x81B0];
	v5 =	vmul.f32 v5, v6;
	v7 =	vadd.f32 v2, v7;
	v1 =	vmul.f32 v1, v8  }
0x56: {  	v23 =	vld [tilespmem:s28+$0x81C0];
	v4 =	vadd.f32 v4, v3;
	v3 =	vmul.f32 v10, v6;
	v0 =	vmul.f32 v0, v8  }
0x57: {  	v10 =	vld [tilespmem:s28+$0x81D0];
	v24 =	vadd.f32 v1, v5;
	v1 =	vmul.f32 v19, v18;
	v5 =	vmul.f32 v11, v8  }
0x58: {  	v2 =	vld [tilespmem:s28+$0x14180];
	v8 =	vmul.f32 v13, v8;
	v11 =	vmul.f32 v20, v18;
	v60 =	vadd.f32 v0, v9  }
0x59: {  	s29 =	simm.s32 $0x80;
	v6 =	vld [tilespmem:s28+$0x81E0];
	v9 =	vmul.f32 v15, v14;
	v7 =	vadd.f32 v1, v7;
	v1 =	vadd.f32 v5, v3  }
0x5a: {  	v63 =	vmul.f32 v22, v18;
	v0 =	vld [tilespmem:s29+$0xC180];
	v3 =	vadd.f32 v8, v12;
	v11 =	vadd.f32 v11, v4  }
0x5b: {  	v5 =	vld [tilespmem:s29+$0x1F0];
	v8 =	vadd.f32 v62, v24;
	[tilespmem:s28+$0x18180] =	vst v7;
	v4 =	vadd.f32 v61, v9;
	v9 =	vmul.f32 v23, v18  }
0x5c: {  	s30 =	simm.s32 $0x400;
	v10 =	vmul.f32 v10, v18;
	v7 =	vld [tilespmem:s29+$0x10180];
	[tilespmem:s28+$0x18190] =	vst v11;
	v11 =	vadd.f32 v63, v60  }
.LBB2_3:
0x5d: {  	p0 =	sne.s32 s30, $0xFE00;
	v12 =	vld [tilespmem:s29+$0x41F0];
	[tilespmem:s28+$0x181A0] =	vst v8;
	v1 =	vadd.f32 v9, v1  }
0x5e: {  	v8 =	vld [tilespmem:s29+$0x14180];
	[tilespmem:s28+$0x181B0] =	vst v11;
	v3 =	vadd.f32 v10, v3;
	v2 =	vmul.f32 v6, v2  }
0x5f: {  	v6 =	vld [tilespmem:s29+$0x81F0];
	[tilespmem:s28+$0x181C0] =	vst v1  }
0x60: {  	v1 =	vld [tilespmem:s29+$0xC180];
	[tilespmem:s28+$0x181D0] =	vst v3;
	v2 =	vadd.f32 v2, v4  }
0x61: {  	v3 =	vld [tilespmem:s29+$0x180]  }
0x62: {  	v0 =	vmul.f32 v5, v0;
	v4 =	vld [tilespmem:s29+$0x10180];
	v5 =	vmul.f32 v12, v7;
	[tilespmem:s28+$0x181E0] =	vst v2;
	s28 =	smov.u32 s29  }
0x63: {  	v2 =	vld [tilespmem:s28+$0x4180]  }
0x64: {  	v7 =	vld [tilespmem:s28+$0x190];
	v0 =	vadd.f32 v5, v0;
	v5 =	vmul.f32 v6, v8  }
0x65: {  	v6 =	vld [tilespmem:s28+$0x4190]  }
0x66: {  	v3 =	vmul.f32 v3, v1;
	v8 =	vld [tilespmem:s28+$0x1A0];
	v0 =	vadd.f32 v5, v0  }
0x67: {  	v5 =	vld [tilespmem:s28+$0x41A0]  }
0x68: {  	v2 =	vmul.f32 v2, v4;
	v9 =	vld [tilespmem:s28+$0x1B0];
	[tilespmem:s28+$0x181F0] =	vst v0  }
0x69: {  	v0 =	vmul.f32 v7, v1;
	v7 =	vld [tilespmem:s28+$0x41B0]  }
0x6a: {  	v10 =	vadd.f32 v2, v3;
	v2 =	vmul.f32 v6, v4;
	v3 =	vld [tilespmem:s28+$0x1C0]  }
0x6b: {  	v6 =	vmul.f32 v8, v1;
	v8 =	vld [tilespmem:s28+$0x41C0]  }
0x6c: {  	v11 =	vadd.f32 v2, v0;
	v0 =	vmul.f32 v5, v4;
	v2 =	vld [tilespmem:s28+$0x1D0]  }
0x6d: {  	v5 =	vmul.f32 v9, v1;
	v9 =	vld [tilespmem:s28+$0x41D0]  }
0x6e: {  	v12 =	vadd.f32 v0, v6;
	v0 =	vmul.f32 v7, v4;
	v6 =	vld [tilespmem:s28+$0xC180]  }
0x6f: {  	v3 =	vmul.f32 v3, v1;
	v7 =	vld [tilespmem:s28+$0x1E0]  }
0x70: {  	v13 =	vadd.f32 v0, v5;
	v0 =	vmul.f32 v8, v4;
	v5 =	vld [tilespmem:s28+$0x10180]  }
0x71: {  	v2 =	vmul.f32 v2, v1;
	v8 =	vld [tilespmem:s28+$0x41E0]  }
0x72: {  	v14 =	vld [tilespmem:s28+$0x14180];
	v1 =	vadd.f32 v0, v3;
	v0 =	vmul.f32 v9, v4  }
0x73: {  	v4 =	vld [tilespmem:s28+$0x8180]  }
0x74: {  	v9 =	vld [tilespmem:s28+$0x8190];
	v3 =	vadd.f32 v0, v2;
	v0 =	vmul.f32 v7, v6  }
0x75: {  	v6 =	vld [tilespmem:s28+$0x81A0]  }
0x76: {  	v7 =	vld [tilespmem:s28+$0x81B0];
	v2 =	vmul.f32 v8, v5  }
0x77: {  	v15 =	vld [tilespmem:s28+$0x81C0]  }
0x78: {  	v5 =	vmul.f32 v4, v14;
	v16 =	vld [tilespmem:s28+$0x81D0];
	v4 =	vadd.f32 v2, v0  }
.Ltmp0:
0x79: {  	v8 =	vmul.f32 v9, v14;
	v2 =	vld [tilespmem:s28+$0x14180];
	(pc) =	sbr.rel @p0 .LBB2_3-.Ltmp0, $4  }
0x7a: {  	s29 =	sshra.s32 s30, $0x2;
	v9 =	vadd.f32 v5, v10;
	v10 =	vmul.f32 v6, v14;
	v6 =	vld [tilespmem:s28+$0x81E0]  }
0x7b: {  	v0 =	vld [tilespmem:s29+$0xC180];
	v11 =	vadd.f32 v8, v11;
	v17 =	vmul.f32 v7, v14  }
0x7c: {  	v5 =	vld [tilespmem:s29+$0x1F0];
	[tilespmem:s28+$0x18180] =	vst v9;
	v8 =	vadd.f32 v10, v12;
	v9 =	vmul.f32 v15, v14  }
0x7d: {  	s30 =	sadd.s32 $0x200, s30;
	v7 =	vld [tilespmem:s29+$0x10180];
	[tilespmem:s28+$0x18190] =	vst v11;
	v11 =	vadd.f32 v17, v13;
	v10 =	vmul.f32 v16, v14  }
0x7e: {  	v12 =	vld [tilespmem:s29+$0x41F0];
	[tilespmem:s28+$0x181A0] =	vst v8;
	v1 =	vadd.f32 v9, v1  }
0x7f: {  	v8 =	vld [tilespmem:s29+$0x14180];
	[tilespmem:s28+$0x181B0] =	vst v11;
	v3 =	vadd.f32 v10, v3;
	v30 =	vmul.f32 v6, v2  }
0x80: {  	v29 =	vld [tilespmem:s29+$0x81F0];
	[tilespmem:s28+$0x181C0] =	vst v1  }
0x81: {  	v31 =	vld [tilespmem:s29+$0xC180];
	[tilespmem:s28+$0x181D0] =	vst v3;
	v1 =	vadd.f32 v30, v4  }
0x82: {  	v3 =	vld [tilespmem:s29+$0x180]  }
0x83: {  	v32 =	vld [tilespmem:s29+$0x10180];
	[tilespmem:s28+$0x181E0] =	vst v1  }
0x84: {  	v34 =	vld [tilespmem:s29+$0x4180]  }
0x85: {  	v35 =	vld [tilespmem:s29+$0x190]  }
0x86: {  	v37 =	vld [tilespmem:s29+$0x4190]  }
0x87: {  	v38 =	vld [tilespmem:s29+$0x1A0]  }
0x88: {  	v39 =	vld [tilespmem:s29+$0x41A0]  }
0x89: {  	v40 =	vld [tilespmem:s29+$0x1B0]  }
0x8a: {  	v41 =	vld [tilespmem:s29+$0x41B0]  }
0x8b: {  	v42 =	vld [tilespmem:s29+$0x1C0]  }
0x8c: {  	v11 =	vld [tilespmem:s29+$0x41C0]  }
0x8d: {  	v43 =	vld [tilespmem:s29+$0x1D0]  }
0x8e: {  	v13 =	vld [tilespmem:s29+$0x41D0]  }
0x8f: {  	v14 =	vld [tilespmem:s29+$0xC180]  }
0x90: {  	v15 =	vld [tilespmem:s29+$0x1E0]  }
0x91: {  	v0 =	vmul.f32 v5, v0;
	v33 =	vmul.f32 v12, v7;
	v16 =	vld [tilespmem:s29+$0x10180]  }
0x92: {  	v17 =	vld [tilespmem:s29+$0x41E0]  }
0x93: {  	v18 =	vld [tilespmem:s29+$0x14180];
	v0 =	vadd.f32 v33, v0;
	v36 =	vmul.f32 v29, v8  }
0x94: {  	v19 =	vld [tilespmem:s29+$0x8180];
	v3 =	vmul.f32 v3, v31;
	v5 =	vmul.f32 v34, v32  }
0x95: {  	v20 =	vld [tilespmem:s29+$0x8190];
	v0 =	vadd.f32 v36, v0;
	v6 =	vmul.f32 v35, v31;
	v7 =	vmul.f32 v37, v32  }
0x96: {  	v21 =	vld [tilespmem:s29+$0x81A0];
	v8 =	vmul.f32 v38, v31;
	v1 =	vmul.f32 v39, v32  }
0x97: {  	v22 =	vld [tilespmem:s29+$0x81B0];
	[tilespmem:s29+$0x181F0] =	vst v0;
	v44 =	vmul.f32 v40, v31;
	v0 =	vmul.f32 v41, v32  }
0x98: {  	v45 =	vld [tilespmem:s29+$0x81C0];
	v46 =	vmul.f32 v42, v31;
	v47 =	vmul.f32 v11, v32  }
0x99: {  	v48 =	vld [tilespmem:s29+$0x81D0];
	v49 =	vmul.f32 v19, v18;
	v2 =	vmul.f32 v43, v31  }
0x9a: {  	v50 =	vld [tilespmem:s29+$0x14180];
	v51 =	vmul.f32 v20, v18;
	v4 =	vmul.f32 v13, v32;
	v3 =	vadd.f32 v5, v3  }
0x9b: {  	v52 =	vld [tilespmem:s29+$0x81E0];
	v53 =	vmul.f32 v21, v18;
	v54 =	vmul.f32 v15, v14;
	v6 =	vadd.f32 v7, v6  }
0x9c: {  	v55 =	vmul.f32 v22, v18;
	v1 =	vadd.f32 v1, v8;
	v3 =	vadd.f32 v49, v3  }
0x9d: {  	v56 =	vmul.f32 v17, v16;
	v0 =	vadd.f32 v0, v44;
	v6 =	vadd.f32 v51, v6  }
0x9e: {  	v57 =	vmul.f32 v45, v18;
	v7 =	vadd.f32 v47, v46;
	v1 =	vadd.f32 v53, v1;
	[tilespmem:s29+$0x18180] =	vst v3  }
0x9f: {  	v58 =	vmul.f32 v48, v18;
	v2 =	vadd.f32 v4, v2;
	v0 =	vadd.f32 v55, v0;
	[tilespmem:s29+$0x18190] =	vst v6  }
0xa0: {  	v61 =	vmul.f32 v52, v50;
	v59 =	vadd.f32 v56, v54;
	v60 =	vadd.f32 v57, v7;
	[tilespmem:s29+$0x181A0] =	vst v1  }
0xa1: {  	v62 =	vadd.f32 v58, v2;
	[tilespmem:s29+$0x181B0] =	vst v0  }
0xa2: {  	s25 =	sadd.s32 $0x1, s25;
	v63 =	vadd.f32 v61, v59;
	[tilespmem:s29+$0x181C0] =	vst v60  }
0xa3: {  	p0 =	sne.s32 s25, $0x4;
	[tilespmem:s29+$0x181D0] =	vst v62  }
.Ltmp1:
0xa4: {  	s26 =	sadd.s32 s10, s26;
	[tilespmem:s29+$0x181E0] =	vst v63;
	(pc) =	sbr.rel @p0 .LBB2_2-.Ltmp1, $4  }
0xa5: {  	[hbm4b:s26+s2] =	stream.linear.scatter [tilespmem:s23], [sflag:$0x2], $0x4000, $0x38;
	[tilespmem:$0x1C180] =	vst v63  }
0xa6: {  	_ =	swait.ge [sflag:s13], $0x4000  }
0xa7: {  	[sflag:s13] =	ssyncset.done $0x0  }
0xa8: {  	[sflag:s13] =	ssyncadd.s32 $0xFFFFC000  }
0xa9: {  	s24 =	sadd.s32 $0x1, s24  }
0xaa: {  	p0 =	sne.s32 s24, s12  }
.Ltmp2:
0xab: {  	_ = 	snop;
	(pc) =	sbr.rel @p0 .LBB2_1-.Ltmp2, $1  }
0xac: {  	_ =	sdelay $0x3  }
0xad: {  	_ =	sfence.sel $0x180000  }
0xae: {  	[bflag:$0x0] =	sbarrier.arrive $0xFFFF  }
0xaf: {  	p0 =	sne.s32 s6, $0x0;
	_ =	strace $0x90000047  }
0xb0: {  	s0 =	sadd.s32 @!p0 $0x100000, s0;
	[bflag:$0x2] =	sbarrier.arrive $0xFFFF  }
0xb1: {  	[sflag:s0] =	ssyncadd.tile.s32 @!p0 $0x1;
	_ =	shalt  }
.Lfunc_end2:
_tile_overlayer_lowered:
.L_overlay_start_2:
0xb2: {  	(tag) =	ssettag $0x2  }
0xb3: {  	s0 =	rddreg [dreg:$0x0];
	s2 =	stileid.u32  }
0xb4: {  	s1 =	rddreg [dreg:$0x1];
	p0 =	sne.s32 s2, $0x0  }
0xb5: {  	s3 =	rddreg [dreg:$0x2];
	[bflag:$0x3] =	sbarrier.arrive $0xFFFF;
	s2 =	simm.s32 @!p0 $0x1C02  }
0xb6: {  	[timem:s3], [sflag:s2] =	dma.local @!p0 [hbm:s0], s1  }
0xb7: {  	s0 =	simm.s32 @!p0 $0x2  }
0xb8: {  	_ =	swait.ge @!p0 [sflag:s0], s1  }
0xb9: {  	s1 =	ssub.s32 @!p0 $0x0, s1;
	[sflag:s0] =	ssyncset.done @!p0 $0x0  }
0xba: {  	[sflag:s0] =	ssyncadd.s32 @!p0 s1  }
0xbb: {  	[bflag:$0x3] =	sbarrier.arrive $0xFFFF  }
0xbc: {  	_ =	shalt  }

</sc_bundles>
